<compile_context>
chip_gen: v7x
topology: tpu7x:2x2x1
jax: 0.10.2.dev20260603
libtpu: 0.0.44.dev20260713+nightly
codegen_flags: <defaults>
</compile_context>

<pallas_src>
import functools

import jax
import jax.numpy as jnp
from jax import lax
from jax.experimental import pallas as pl
from jax.experimental.pallas import tpu as pltpu
from jax.experimental.pallas import tpu_sc as plsc

N = 10000
D = 128
E = 320000

NC = 2
NS = 16
HD = D // NC
CHUNK = 128
EDGES_PER_TILE = E // NS
NCHUNKS = -(-EDGES_PER_TILE // CHUNK)
E_PAD_T = NCHUNKS * CHUNK
N_PAD = 10112
ROWS_PER_TILE = N_PAD // NS
CW = 8


def _sc_body(with_counts, x2_hbm, srcs_hbm, dsts_hbm, zrow_hbm, zcnt_hbm,
             ones_hbm, ssum_hbm, cnt_hbm,
             src_v, dst_v, rows0_v, rows1_v, rows2_v, rows3_v, ones_v,
             acc_s, cacc_s, sem0, sem1, sem2, sem3):
    c = lax.axis_index("c")
    s = lax.axis_index("s")
    wid = c * NS + s

    pltpu.sync_copy(srcs_hbm.at[wid], src_v)
    pltpu.sync_copy(dsts_hbm.at[s], dst_v)
    if with_counts:
        pltpu.sync_copy(ones_hbm, ones_v)

    base = s * ROWS_PER_TILE
    pltpu.sync_copy(zrow_hbm, acc_s.at[pl.ds(base, ROWS_PER_TILE)])
    if with_counts:
        pltpu.sync_copy(zcnt_hbm, cacc_s.at[pl.ds(base, ROWS_PER_TILE)])
    plsc.subcore_barrier()

    def gather(j, buf, sem):
        return pltpu.async_copy(x2_hbm.at[src_v.at[j]], buf, sem)

    def scat(j, buf, parity):
        pltpu.sync_copy(buf, acc_s.at[dst_v.at[j]], add=True)

        if with_counts:
            @pl.when(c == parity)
            def _():
                pltpu.sync_copy(ones_v, cacc_s.at[dst_v.at[j]], add=True)

    bufs = (rows0_v, rows1_v, rows2_v, rows3_v)
    sems = (sem0, sem1, sem2, sem3)

    def g_wait(j, b):
        pltpu.make_async_copy(x2_hbm.at[src_v.at[j]], bufs[b], sems[b]).wait()

    for b in range(4):
        gather(b, bufs[b], sems[b])

    def quad(i, carry):
        k0 = 4 * i
        for b in range(4):
            k = k0 + b
            g_wait(k, b)
            scat(k, bufs[b], b % 2)
            gather(k + 4, bufs[b], sems[b])
        return carry

    lax.fori_loop(0, NCHUNKS // 4 - 1, quad, 0)
    for b in range(4):
        k = NCHUNKS - 5 + b
        g_wait(k, b)
        scat(k, bufs[b], k % 2)
    gather(NCHUNKS - 1, rows0_v, sem0)
    g_wait(NCHUNKS - 1, 0)
    scat(NCHUNKS - 1, rows0_v, (NCHUNKS - 1) % 2)
    plsc.subcore_barrier()

    pltpu.sync_copy(acc_s.at[pl.ds(base, ROWS_PER_TILE)],
                    ssum_hbm.at[c, pl.ds(base, ROWS_PER_TILE)])
    if with_counts:
        pltpu.sync_copy(cacc_s.at[pl.ds(base, ROWS_PER_TILE)],
                        cnt_hbm.at[c, pl.ds(base, ROWS_PER_TILE)])


def _segment_sum_sc(x2, srcs, dsts, with_counts=True):
    zrow = jnp.zeros((ROWS_PER_TILE, HD), jnp.float32)
    zcnt = jnp.zeros((ROWS_PER_TILE, CW), jnp.float32)
    ones = jnp.ones((CHUNK, CW), jnp.float32)
    mesh = plsc.VectorSubcoreMesh(core_axis_name="c", subcore_axis_name="s")
    f = pl.kernel(
        functools.partial(_sc_body, with_counts),
        mesh=mesh,
        compiler_params=pltpu.CompilerParams(use_tc_tiling_on_sc=False),
        out_type=(
            jax.ShapeDtypeStruct((NC, N_PAD, HD), jnp.float32),
            jax.ShapeDtypeStruct((NC, N_PAD, CW), jnp.float32),
        ),
        scratch_types=[
            pltpu.VMEM((NCHUNKS, CHUNK), jnp.int32),
            pltpu.VMEM((NCHUNKS, CHUNK), jnp.int32),
            pltpu.VMEM((CHUNK, HD), jnp.float32),
            pltpu.VMEM((CHUNK, HD), jnp.float32),
            pltpu.VMEM((CHUNK, HD), jnp.float32),
            pltpu.VMEM((CHUNK, HD), jnp.float32),
            pltpu.VMEM((CHUNK, CW), jnp.float32),
            pltpu.VMEM_SHARED((N_PAD, HD), jnp.float32),
            pltpu.VMEM_SHARED((N_PAD, CW), jnp.float32),
            pltpu.SemaphoreType.DMA,
            pltpu.SemaphoreType.DMA,
            pltpu.SemaphoreType.DMA,
            pltpu.SemaphoreType.DMA,
        ],
    )
    return f(x2, srcs, dsts, zrow, zcnt, ones)


def _tc_body(add_res, ps_ref, cs_ref, x_ref, wl_ref, bl_ref, wr_ref,
             lnw_ref, lnb_ref, res_ref, out_ref):
    ssum = jnp.concatenate([ps_ref[0], ps_ref[1]], axis=1)[:N]
    cnt = (cs_ref[0] + cs_ref[1])[:N, 0:1]
    agg = ssum / jnp.maximum(cnt, 1.0)
    t = (jnp.dot(agg, wl_ref[...], preferred_element_type=jnp.float32)
         + bl_ref[...]
         + jnp.dot(x_ref[...], wr_ref[...], preferred_element_type=jnp.float32))
    xc = t - jnp.mean(t)
    sd = jnp.sqrt(jnp.mean(xc * xc))
    y = (xc / (sd + 1e-5)) * lnw_ref[...] + lnb_ref[...]
    y = jnp.maximum(y, 0.0)
    if add_res:
        y = y + res_ref[...]
    out_ref[...] = y


def _dense_layer_tc(ps, cs, x, WlT, bl, WrT, lnw, lnb, res, add_res):
    body = functools.partial(_tc_body, add_res)
    return pl.pallas_call(
        body,
        out_shape=jax.ShapeDtypeStruct((N, D), jnp.float32),
    )(ps, cs, x, WlT, bl.reshape(1, D), WrT, lnw.reshape(1, D),
      lnb.reshape(1, D), res)


def kernel(x, edge_index, Wl1, bl1, Wr1, ln1_w, ln1_b,
           Wl2, bl2, Wr2, ln2_w, ln2_b):
    pad = NS * E_PAD_T - E
    src = jnp.concatenate([edge_index[0], jnp.zeros((pad,), jnp.int32)])
    dst = jnp.concatenate([edge_index[1], jnp.full((pad,), N, jnp.int32)])
    src2 = (src * 2).reshape(1, NS, NCHUNKS, CHUNK)
    srcs = jnp.concatenate([src2, src2 + 1], axis=0).reshape(
        NC * NS, NCHUNKS, CHUNK)
    dsts = dst.reshape(NS, NCHUNKS, CHUNK)

    ps1, cs1 = _segment_sum_sc(x.reshape(NC * N, HD), srcs, dsts)
    h1 = _dense_layer_tc(ps1, cs1, x, Wl1.T, bl1, Wr1.T, ln1_w, ln1_b,
                         x, add_res=False)
    ps2, _ = _segment_sum_sc(h1.reshape(NC * N, HD), srcs, dsts,
                             with_counts=False)
    h2 = _dense_layer_tc(ps2, cs1, h1, Wl2.T, bl2, Wr2.T, ln2_w, ln2_b,
                         x, add_res=True)
    return (h2, edge_index)

# --- scband reference (transcript-rebuilt; emitter-appended) ---
"""Pipeline reference for scband-gcn-sage-residual-11914239279204 (READ-ONLY COPY).

The authoritative reference and input builder live on the scoring server;
editing this copy changes nothing except your own understanding.
"""

import jax, jax.numpy as jnp
import numpy as np

N = 10000
D = 128
E = 320000


def setup_inputs(seed: int = 0) -> dict:
    key = jax.random.key(seed)
    ks = jax.random.split(key, 8)
    s = 1.0 / np.sqrt(D)
    return {
        "x": jax.random.normal(ks[0], (N, D), dtype=jnp.float32),
        "edge_index": jax.random.randint(ks[1], (2, E), 0, N, dtype=jnp.int32),
        "Wl1": jax.random.normal(ks[2], (D, D), dtype=jnp.float32) * s,
        "bl1": jnp.zeros((D,), dtype=jnp.float32),
        "Wr1": jax.random.normal(ks[3], (D, D), dtype=jnp.float32) * s,
        "ln1_w": jnp.ones((D,), dtype=jnp.float32),
        "ln1_b": jnp.zeros((D,), dtype=jnp.float32),
        "Wl2": jax.random.normal(ks[4], (D, D), dtype=jnp.float32) * s,
        "bl2": jnp.zeros((D,), dtype=jnp.float32),
        "Wr2": jax.random.normal(ks[5], (D, D), dtype=jnp.float32) * s,
        "ln2_w": jnp.ones((D,), dtype=jnp.float32),
        "ln2_b": jnp.zeros((D,), dtype=jnp.float32),
    }


def _sage_conv_mean(x, src, dst, Wl, bl, Wr):
    # PyG SAGEConv(aggr='mean'): out = lin_l(mean_{j->i} x_j) + lin_r(x_i)
    msg = jnp.take(x, src, axis=0)
    ssum = jax.ops.segment_sum(msg, dst, num_segments=N)
    cnt = jax.ops.segment_sum(jnp.ones((src.shape[0],), dtype=jnp.float32), dst, num_segments=N)
    agg = ssum / jnp.clip(cnt, 1.0)[:, None]
    return agg @ Wl.T + bl + x @ Wr.T


def _pyg_graph_layernorm(x, w, b, eps=1e-5):
    # torch_geometric.nn.norm.LayerNorm default mode='graph', batch=None:
    # normalize over ALL nodes and features of the (single) graph.
    xc = x - jnp.mean(x)
    out = xc / (jnp.std(xc) + eps)
    return out * w + b


def reference(x, edge_index, Wl1, bl1, Wr1, ln1_w, ln1_b, Wl2, bl2, Wr2, ln2_w, ln2_b):
    src = edge_index[0]
    dst = edge_index[1]
    res = x
    h = _sage_conv_mean(x, src, dst, Wl1, bl1, Wr1)
    h = jax.nn.relu(_pyg_graph_layernorm(h, ln1_w, ln1_b))
    h = _sage_conv_mean(h, src, dst, Wl2, bl2, Wr2)
    h = jax.nn.relu(_pyg_graph_layernorm(h, ln2_w, ln2_b))
    return (h + res, edge_index)

if __name__ == "__main__":
    import jax
    _d = setup_inputs()
    print(jax.jit(kernel)(*tuple(_d.values())))

</pallas_src>

<mosaic_0001>
#map = affine_map<(d0, d1) -> (0, 0)>
#map1 = affine_map<(d0, d1) -> (0, 0, 0)>
module attributes {stable_mosaic.version = 14 : i64} {
  func.func @_sc_body(%arg0: i32, %arg1: i32, %arg2: memref<20000x64xf32, #tpu.memory_space<hbm>>, %arg3: memref<32x157x128xi32, #tpu.memory_space<hbm>>, %arg4: memref<16x157x128xi32, #tpu.memory_space<hbm>>, %arg5: memref<632x64xf32, #tpu.memory_space<hbm>>, %arg6: memref<632x8xf32, #tpu.memory_space<hbm>>, %arg7: memref<128x8xf32, #tpu.memory_space<hbm>>, %arg8: memref<2x10112x64xf32, #tpu.memory_space<hbm>>, %arg9: memref<2x10112x8xf32, #tpu.memory_space<hbm>>, %arg10: memref<157x128xi32, #tpu.memory_space<vmem>>, %arg11: memref<157x128xi32, #tpu.memory_space<vmem>>, %arg12: memref<128x64xf32, #tpu.memory_space<vmem>>, %arg13: memref<128x64xf32, #tpu.memory_space<vmem>>, %arg14: memref<128x64xf32, #tpu.memory_space<vmem>>, %arg15: memref<128x64xf32, #tpu.memory_space<vmem>>, %arg16: memref<128x8xf32, #tpu.memory_space<vmem>>, %arg17: memref<10112x64xf32, #tpu.memory_space<vmem_shared>>, %arg18: memref<10112x8xf32, #tpu.memory_space<vmem_shared>>, %arg19: memref<!tpu.dma_semaphore, #tpu.memory_space<semaphore_mem>>, %arg20: memref<!tpu.dma_semaphore, #tpu.memory_space<semaphore_mem>>, %arg21: memref<!tpu.dma_semaphore, #tpu.memory_space<semaphore_mem>>, %arg22: memref<!tpu.dma_semaphore, #tpu.memory_space<semaphore_mem>>) attributes {dimension_semantics = [#tpu.dimension_semantics<core_parallel>, #tpu.dimension_semantics<subcore_parallel>], iteration_bounds = array<i64: 2, 16>, scalar_prefetch = 0 : i64, scratch_operands = 13 : i64, tpu.core_type = #tpu.core_type<sc_vector_subcore>, window_params = [{transform_indices = #map}, {transform_indices = #map1}, {transform_indices = #map1}, {transform_indices = #map}, {transform_indices = #map}, {transform_indices = #map}, {transform_indices = #map1}, {transform_indices = #map1}]} {
    %mul3A = arith.constant 16 : i32
    %mul3A_0 = arith.muli %arg0, %mul3A : i32
    %add3A = arith.addi %mul3A_0, %arg1 : i32
    "tpu.region"() ({
      %run_scoped3A_81 = tpu.sem_alloc : memref<!tpu.dma_semaphore, #tpu.memory_space<semaphore_mem>>
      %dma_start3A_82 = arith.constant 0 : i32
      %dma_start3A_83 = arith.constant 0 : i32
      %dma_start3A_84 = tpu.memref_slice %arg3[%add3A, %dma_start3A_82, %dma_start3A_83] : memref<32x157x128xi32, #tpu.memory_space<hbm>> -> memref<1x157x128xi32, #tpu.memory_space<hbm>>
      %dma_start3A_85 = tpu.memref_squeeze %dma_start3A_84 : memref<1x157x128xi32, #tpu.memory_space<hbm>> -> memref<157x128xi32, #tpu.memory_space<hbm>>
      %dma_start3A_86 = arith.constant 0 : i32
      %dma_start3A_87 = arith.constant 0 : i32
      %dma_start3A_88 = tpu.memref_slice %arg3[%add3A, %dma_start3A_86, %dma_start3A_87] : memref<32x157x128xi32, #tpu.memory_space<hbm>> -> memref<1x157x128xi32, #tpu.memory_space<hbm>>
      %dma_start3A_89 = tpu.memref_squeeze %dma_start3A_88 : memref<1x157x128xi32, #tpu.memory_space<hbm>> -> memref<157x128xi32, #tpu.memory_space<hbm>>
      tpu.enqueue_dma source(%dma_start3A_89 : memref<157x128xi32, #tpu.memory_space<hbm>>) target(%arg10 : memref<157x128xi32, #tpu.memory_space<vmem>>) target_semaphore(%run_scoped3A_81 : memref<!tpu.dma_semaphore, #tpu.memory_space<semaphore_mem>>)
      %dma_wait3A_90 = arith.constant 0 : i32
      %dma_wait3A_91 = arith.constant 0 : i32
      %dma_wait3A_92 = tpu.memref_slice %arg3[%add3A, %dma_wait3A_90, %dma_wait3A_91] : memref<32x157x128xi32, #tpu.memory_space<hbm>> -> memref<1x157x128xi32, #tpu.memory_space<hbm>>
      %dma_wait3A_93 = tpu.memref_squeeze %dma_wait3A_92 : memref<1x157x128xi32, #tpu.memory_space<hbm>> -> memref<157x128xi32, #tpu.memory_space<hbm>>
      %dma_wait3A_94 = arith.constant 0 : i32
      %dma_wait3A_95 = arith.constant 0 : i32
      %dma_wait3A_96 = tpu.memref_slice %arg3[%add3A, %dma_wait3A_94, %dma_wait3A_95] : memref<32x157x128xi32, #tpu.memory_space<hbm>> -> memref<1x157x128xi32, #tpu.memory_space<hbm>>
      %dma_wait3A_97 = tpu.memref_squeeze %dma_wait3A_96 : memref<1x157x128xi32, #tpu.memory_space<hbm>> -> memref<157x128xi32, #tpu.memory_space<hbm>>
      tpu.wait_dma2 semaphore(%run_scoped3A_81 : memref<!tpu.dma_semaphore, #tpu.memory_space<semaphore_mem>>) src(%dma_wait3A_97 : memref<157x128xi32, #tpu.memory_space<hbm>>) dst(%arg10 : memref<157x128xi32, #tpu.memory_space<vmem>>)
      tpu.yield
    }) : () -> ()
    "tpu.region"() ({
      %run_scoped3A_81 = tpu.sem_alloc : memref<!tpu.dma_semaphore, #tpu.memory_space<semaphore_mem>>
      %dma_start3A_82 = arith.constant 0 : i32
      %dma_start3A_83 = arith.constant 0 : i32
      %dma_start3A_84 = tpu.memref_slice %arg4[%arg1, %dma_start3A_82, %dma_start3A_83] : memref<16x157x128xi32, #tpu.memory_space<hbm>> -> memref<1x157x128xi32, #tpu.memory_space<hbm>>
      %dma_start3A_85 = tpu.memref_squeeze %dma_start3A_84 : memref<1x157x128xi32, #tpu.memory_space<hbm>> -> memref<157x128xi32, #tpu.memory_space<hbm>>
      %dma_start3A_86 = arith.constant 0 : i32
      %dma_start3A_87 = arith.constant 0 : i32
      %dma_start3A_88 = tpu.memref_slice %arg4[%arg1, %dma_start3A_86, %dma_start3A_87] : memref<16x157x128xi32, #tpu.memory_space<hbm>> -> memref<1x157x128xi32, #tpu.memory_space<hbm>>
      %dma_start3A_89 = tpu.memref_squeeze %dma_start3A_88 : memref<1x157x128xi32, #tpu.memory_space<hbm>> -> memref<157x128xi32, #tpu.memory_space<hbm>>
      tpu.enqueue_dma source(%dma_start3A_89 : memref<157x128xi32, #tpu.memory_space<hbm>>) target(%arg11 : memref<157x128xi32, #tpu.memory_space<vmem>>) target_semaphore(%run_scoped3A_81 : memref<!tpu.dma_semaphore, #tpu.memory_space<semaphore_mem>>)
      %dma_wait3A_90 = arith.constant 0 : i32
      %dma_wait3A_91 = arith.constant 0 : i32
      %dma_wait3A_92 = tpu.memref_slice %arg4[%arg1, %dma_wait3A_90, %dma_wait3A_91] : memref<16x157x128xi32, #tpu.memory_space<hbm>> -> memref<1x157x128xi32, #tpu.memory_space<hbm>>
      %dma_wait3A_93 = tpu.memref_squeeze %dma_wait3A_92 : memref<1x157x128xi32, #tpu.memory_space<hbm>> -> memref<157x128xi32, #tpu.memory_space<hbm>>
      %dma_wait3A_94 = arith.constant 0 : i32
      %dma_wait3A_95 = arith.constant 0 : i32
      %dma_wait3A_96 = tpu.memref_slice %arg4[%arg1, %dma_wait3A_94, %dma_wait3A_95] : memref<16x157x128xi32, #tpu.memory_space<hbm>> -> memref<1x157x128xi32, #tpu.memory_space<hbm>>
      %dma_wait3A_97 = tpu.memref_squeeze %dma_wait3A_96 : memref<1x157x128xi32, #tpu.memory_space<hbm>> -> memref<157x128xi32, #tpu.memory_space<hbm>>
      tpu.wait_dma2 semaphore(%run_scoped3A_81 : memref<!tpu.dma_semaphore, #tpu.memory_space<semaphore_mem>>) src(%dma_wait3A_97 : memref<157x128xi32, #tpu.memory_space<hbm>>) dst(%arg11 : memref<157x128xi32, #tpu.memory_space<vmem>>)
      tpu.yield
    }) : () -> ()
    %mul3A_1 = arith.constant 632 : i32
    %mul3A_2 = arith.muli %arg1, %mul3A_1 : i32
    "tpu.region"() ({
      %run_scoped3A_81 = tpu.sem_alloc : memref<!tpu.dma_semaphore, #tpu.memory_space<semaphore_mem>>
      %dma_start3A_82 = arith.constant 0 : i32
      %dma_start3A_83 = tpu.memref_slice %arg17[%mul3A_2, %dma_start3A_82] : memref<10112x64xf32, #tpu.memory_space<vmem_shared>> -> memref<632x64xf32, #tpu.memory_space<vmem_shared>>
      tpu.enqueue_dma source(%arg5 : memref<632x64xf32, #tpu.memory_space<hbm>>) target(%dma_start3A_83 : memref<632x64xf32, #tpu.memory_space<vmem_shared>>) target_semaphore(%run_scoped3A_81 : memref<!tpu.dma_semaphore, #tpu.memory_space<semaphore_mem>>)
      %dma_wait3A_84 = arith.constant 0 : i32
      %dma_wait3A_85 = tpu.memref_slice %arg17[%mul3A_2, %dma_wait3A_84] : memref<10112x64xf32, #tpu.memory_space<vmem_shared>> -> memref<632x64xf32, #tpu.memory_space<vmem_shared>>
      tpu.wait_dma2 semaphore(%run_scoped3A_81 : memref<!tpu.dma_semaphore, #tpu.memory_space<semaphore_mem>>) src(%arg5 : memref<632x64xf32, #tpu.memory_space<hbm>>) dst(%dma_wait3A_85 : memref<632x64xf32, #tpu.memory_space<vmem_shared>>)
      tpu.yield
    }) : () -> ()
    %barrier3A = arith.constant 0 : index
    tpu.barrier barrier_id(%barrier3A)
    %dma_start3A = arith.constant 0 : i32
    %dma_start3A_3 = arith.constant 0 : i32
    %dma_start3A_4 = tpu.memref_slice %arg10[%dma_start3A, %dma_start3A_3] : memref<157x128xi32, #tpu.memory_space<vmem>> -> memref<1x128xi32, #tpu.memory_space<vmem>>
    %dma_start3A_5 = tpu.memref_squeeze %dma_start3A_4 : memref<1x128xi32, #tpu.memory_space<vmem>> -> memref<128xi32, #tpu.memory_space<vmem>>
    %dma_start3A_6 = arith.constant 0 : i32
    %dma_start3A_7 = arith.constant 0 : i32
    %dma_start3A_8 = tpu.memref_slice %arg2[%dma_start3A_6, %dma_start3A_7] : memref<20000x64xf32, #tpu.memory_space<hbm>> -> memref<20000x64xf32, #tpu.memory_space<hbm>>
    tpu.enqueue_indirect_dma source(%dma_start3A_8 : memref<20000x64xf32, #tpu.memory_space<hbm>>) target(%arg12 : memref<128x64xf32, #tpu.memory_space<vmem>>) offsets(%dma_start3A_5 : memref<128xi32, #tpu.memory_space<vmem>>) semaphore(%arg19 : memref<!tpu.dma_semaphore, #tpu.memory_space<semaphore_mem>>)
    %dma_start3A_9 = arith.constant 1 : i32
    %dma_start3A_10 = arith.constant 0 : i32
    %dma_start3A_11 = tpu.memref_slice %arg10[%dma_start3A_9, %dma_start3A_10] : memref<157x128xi32, #tpu.memory_space<vmem>> -> memref<1x128xi32, #tpu.memory_space<vmem>>
    %dma_start3A_12 = tpu.memref_squeeze %dma_start3A_11 : memref<1x128xi32, #tpu.memory_space<vmem>> -> memref<128xi32, #tpu.memory_space<vmem>>
    %dma_start3A_13 = arith.constant 0 : i32
    %dma_start3A_14 = arith.constant 0 : i32
    %dma_start3A_15 = tpu.memref_slice %arg2[%dma_start3A_13, %dma_start3A_14] : memref<20000x64xf32, #tpu.memory_space<hbm>> -> memref<20000x64xf32, #tpu.memory_space<hbm>>
    tpu.enqueue_indirect_dma source(%dma_start3A_15 : memref<20000x64xf32, #tpu.memory_space<hbm>>) target(%arg13 : memref<128x64xf32, #tpu.memory_space<vmem>>) offsets(%dma_start3A_12 : memref<128xi32, #tpu.memory_space<vmem>>) semaphore(%arg20 : memref<!tpu.dma_semaphore, #tpu.memory_space<semaphore_mem>>)
    %dma_start3A_16 = arith.constant 2 : i32
    %dma_start3A_17 = arith.constant 0 : i32
    %dma_start3A_18 = tpu.memref_slice %arg10[%dma_start3A_16, %dma_start3A_17] : memref<157x128xi32, #tpu.memory_space<vmem>> -> memref<1x128xi32, #tpu.memory_space<vmem>>
    %dma_start3A_19 = tpu.memref_squeeze %dma_start3A_18 : memref<1x128xi32, #tpu.memory_space<vmem>> -> memref<128xi32, #tpu.memory_space<vmem>>
    %dma_start3A_20 = arith.constant 0 : i32
    %dma_start3A_21 = arith.constant 0 : i32
    %dma_start3A_22 = tpu.memref_slice %arg2[%dma_start3A_20, %dma_start3A_21] : memref<20000x64xf32, #tpu.memory_space<hbm>> -> memref<20000x64xf32, #tpu.memory_space<hbm>>
    tpu.enqueue_indirect_dma source(%dma_start3A_22 : memref<20000x64xf32, #tpu.memory_space<hbm>>) target(%arg14 : memref<128x64xf32, #tpu.memory_space<vmem>>) offsets(%dma_start3A_19 : memref<128xi32, #tpu.memory_space<vmem>>) semaphore(%arg21 : memref<!tpu.dma_semaphore, #tpu.memory_space<semaphore_mem>>)
    %dma_start3A_23 = arith.constant 3 : i32
    %dma_start3A_24 = arith.constant 0 : i32
    %dma_start3A_25 = tpu.memref_slice %arg10[%dma_start3A_23, %dma_start3A_24] : memref<157x128xi32, #tpu.memory_space<vmem>> -> memref<1x128xi32, #tpu.memory_space<vmem>>
    %dma_start3A_26 = tpu.memref_squeeze %dma_start3A_25 : memref<1x128xi32, #tpu.memory_space<vmem>> -> memref<128xi32, #tpu.memory_space<vmem>>
    %dma_start3A_27 = arith.constant 0 : i32
    %dma_start3A_28 = arith.constant 0 : i32
    %dma_start3A_29 = tpu.memref_slice %arg2[%dma_start3A_27, %dma_start3A_28] : memref<20000x64xf32, #tpu.memory_space<hbm>> -> memref<20000x64xf32, #tpu.memory_space<hbm>>
    tpu.enqueue_indirect_dma source(%dma_start3A_29 : memref<20000x64xf32, #tpu.memory_space<hbm>>) target(%arg15 : memref<128x64xf32, #tpu.memory_space<vmem>>) offsets(%dma_start3A_26 : memref<128xi32, #tpu.memory_space<vmem>>) semaphore(%arg22 : memref<!tpu.dma_semaphore, #tpu.memory_space<semaphore_mem>>)
    %scan3A = arith.constant 0 : i32
    %scan3A_30 = arith.constant 0 : i32
    %scan3A_31 = arith.constant 38 : i32
    %scan3A_32 = arith.addi %scan3A_30, %scan3A_31 : i32
    %scan3A_33 = arith.constant 1 : i32
    scf.for %scan3A_81 = %scan3A_30 to %scan3A_32 step %scan3A_33  : i32 {
      %mul3A_82 = arith.constant 4 : i32
      %mul3A_83 = arith.muli %mul3A_82, %scan3A_81 : i32
      %add3A_84 = arith.constant 0 : i32
      %add3A_85 = arith.addi %mul3A_83, %add3A_84 : i32
      %dma_wait3A_86 = arith.constant 0 : i32
      %dma_wait3A_87 = tpu.memref_slice %arg10[%add3A_85, %dma_wait3A_86] : memref<157x128xi32, #tpu.memory_space<vmem>> -> memref<1x128xi32, #tpu.memory_space<vmem>>
      %dma_wait3A_88 = tpu.memref_squeeze %dma_wait3A_87 : memref<1x128xi32, #tpu.memory_space<vmem>> -> memref<128xi32, #tpu.memory_space<vmem>>
      %dma_wait3A_89 = arith.constant 0 : i32
      %dma_wait3A_90 = arith.constant 0 : i32
      %dma_wait3A_91 = tpu.memref_slice %arg2[%dma_wait3A_89, %dma_wait3A_90] : memref<20000x64xf32, #tpu.memory_space<hbm>> -> memref<20000x64xf32, #tpu.memory_space<hbm>>
      tpu.wait_indirect_dma semaphore(%arg19 : memref<!tpu.dma_semaphore, #tpu.memory_space<semaphore_mem>>) src(%dma_wait3A_91 : memref<20000x64xf32, #tpu.memory_space<hbm>>) dst(%arg12 : memref<128x64xf32, #tpu.memory_space<vmem>>)
      "tpu.region"() ({
        %run_scoped3A_148 = tpu.sem_alloc : memref<!tpu.dma_semaphore, #tpu.memory_space<semaphore_mem>>
        %dma_start3A_149 = arith.constant 0 : i32
        %dma_start3A_150 = tpu.memref_slice %arg11[%add3A_85, %dma_start3A_149] : memref<157x128xi32, #tpu.memory_space<vmem>> -> memref<1x128xi32, #tpu.memory_space<vmem>>
        %dma_start3A_151 = tpu.memref_squeeze %dma_start3A_150 : memref<1x128xi32, #tpu.memory_space<vmem>> -> memref<128xi32, #tpu.memory_space<vmem>>
        %dma_start3A_152 = arith.constant 0 : i32
        %dma_start3A_153 = arith.constant 0 : i32
        %dma_start3A_154 = tpu.memref_slice %arg17[%dma_start3A_152, %dma_start3A_153] : memref<10112x64xf32, #tpu.memory_space<vmem_shared>> -> memref<10112x64xf32, #tpu.memory_space<vmem_shared>>
        tpu.enqueue_indirect_dma source(%arg12 : memref<128x64xf32, #tpu.memory_space<vmem>>) target(%dma_start3A_154 : memref<10112x64xf32, #tpu.memory_space<vmem_shared>>) offsets(%dma_start3A_151 : memref<128xi32, #tpu.memory_space<vmem>>) semaphore(%run_scoped3A_148 : memref<!tpu.dma_semaphore, #tpu.memory_space<semaphore_mem>>) {add = true}
        %dma_wait3A_155 = arith.constant 0 : i32
        %dma_wait3A_156 = tpu.memref_slice %arg11[%add3A_85, %dma_wait3A_155] : memref<157x128xi32, #tpu.memory_space<vmem>> -> memref<1x128xi32, #tpu.memory_space<vmem>>
        %dma_wait3A_157 = tpu.memref_squeeze %dma_wait3A_156 : memref<1x128xi32, #tpu.memory_space<vmem>> -> memref<128xi32, #tpu.memory_space<vmem>>
        %dma_wait3A_158 = arith.constant 0 : i32
        %dma_wait3A_159 = arith.constant 0 : i32
        %dma_wait3A_160 = tpu.memref_slice %arg17[%dma_wait3A_158, %dma_wait3A_159] : memref<10112x64xf32, #tpu.memory_space<vmem_shared>> -> memref<10112x64xf32, #tpu.memory_space<vmem_shared>>
        tpu.wait_indirect_dma semaphore(%run_scoped3A_148 : memref<!tpu.dma_semaphore, #tpu.memory_space<semaphore_mem>>) src(%arg12 : memref<128x64xf32, #tpu.memory_space<vmem>>) dst(%dma_wait3A_160 : memref<10112x64xf32, #tpu.memory_space<vmem_shared>>)
        tpu.yield
      }) : () -> ()
      %add3A_92 = arith.constant 4 : i32
      %add3A_93 = arith.addi %add3A_85, %add3A_92 : i32
      %dma_start3A_94 = arith.constant 0 : i32
      %dma_start3A_95 = tpu.memref_slice %arg10[%add3A_93, %dma_start3A_94] : memref<157x128xi32, #tpu.memory_space<vmem>> -> memref<1x128xi32, #tpu.memory_space<vmem>>
      %dma_start3A_96 = tpu.memref_squeeze %dma_start3A_95 : memref<1x128xi32, #tpu.memory_space<vmem>> -> memref<128xi32, #tpu.memory_space<vmem>>
      %dma_start3A_97 = arith.constant 0 : i32
      %dma_start3A_98 = arith.constant 0 : i32
      %dma_start3A_99 = tpu.memref_slice %arg2[%dma_start3A_97, %dma_start3A_98] : memref<20000x64xf32, #tpu.memory_space<hbm>> -> memref<20000x64xf32, #tpu.memory_space<hbm>>
      tpu.enqueue_indirect_dma source(%dma_start3A_99 : memref<20000x64xf32, #tpu.memory_space<hbm>>) target(%arg12 : memref<128x64xf32, #tpu.memory_space<vmem>>) offsets(%dma_start3A_96 : memref<128xi32, #tpu.memory_space<vmem>>) semaphore(%arg19 : memref<!tpu.dma_semaphore, #tpu.memory_space<semaphore_mem>>)
      %add3A_100 = arith.constant 1 : i32
      %add3A_101 = arith.addi %mul3A_83, %add3A_100 : i32
      %dma_wait3A_102 = arith.constant 0 : i32
      %dma_wait3A_103 = tpu.memref_slice %arg10[%add3A_101, %dma_wait3A_102] : memref<157x128xi32, #tpu.memory_space<vmem>> -> memref<1x128xi32, #tpu.memory_space<vmem>>
      %dma_wait3A_104 = tpu.memref_squeeze %dma_wait3A_103 : memref<1x128xi32, #tpu.memory_space<vmem>> -> memref<128xi32, #tpu.memory_space<vmem>>
      %dma_wait3A_105 = arith.constant 0 : i32
      %dma_wait3A_106 = arith.constant 0 : i32
      %dma_wait3A_107 = tpu.memref_slice %arg2[%dma_wait3A_105, %dma_wait3A_106] : memref<20000x64xf32, #tpu.memory_space<hbm>> -> memref<20000x64xf32, #tpu.memory_space<hbm>>
      tpu.wait_indirect_dma semaphore(%arg20 : memref<!tpu.dma_semaphore, #tpu.memory_space<semaphore_mem>>) src(%dma_wait3A_107 : memref<20000x64xf32, #tpu.memory_space<hbm>>) dst(%arg13 : memref<128x64xf32, #tpu.memory_space<vmem>>)
      "tpu.region"() ({
        %run_scoped3A_148 = tpu.sem_alloc : memref<!tpu.dma_semaphore, #tpu.memory_space<semaphore_mem>>
        %dma_start3A_149 = arith.constant 0 : i32
        %dma_start3A_150 = tpu.memref_slice %arg11[%add3A_101, %dma_start3A_149] : memref<157x128xi32, #tpu.memory_space<vmem>> -> memref<1x128xi32, #tpu.memory_space<vmem>>
        %dma_start3A_151 = tpu.memref_squeeze %dma_start3A_150 : memref<1x128xi32, #tpu.memory_space<vmem>> -> memref<128xi32, #tpu.memory_space<vmem>>
        %dma_start3A_152 = arith.constant 0 : i32
        %dma_start3A_153 = arith.constant 0 : i32
        %dma_start3A_154 = tpu.memref_slice %arg17[%dma_start3A_152, %dma_start3A_153] : memref<10112x64xf32, #tpu.memory_space<vmem_shared>> -> memref<10112x64xf32, #tpu.memory_space<vmem_shared>>
        tpu.enqueue_indirect_dma source(%arg13 : memref<128x64xf32, #tpu.memory_space<vmem>>) target(%dma_start3A_154 : memref<10112x64xf32, #tpu.memory_space<vmem_shared>>) offsets(%dma_start3A_151 : memref<128xi32, #tpu.memory_space<vmem>>) semaphore(%run_scoped3A_148 : memref<!tpu.dma_semaphore, #tpu.memory_space<semaphore_mem>>) {add = true}
        %dma_wait3A_155 = arith.constant 0 : i32
        %dma_wait3A_156 = tpu.memref_slice %arg11[%add3A_101, %dma_wait3A_155] : memref<157x128xi32, #tpu.memory_space<vmem>> -> memref<1x128xi32, #tpu.memory_space<vmem>>
        %dma_wait3A_157 = tpu.memref_squeeze %dma_wait3A_156 : memref<1x128xi32, #tpu.memory_space<vmem>> -> memref<128xi32, #tpu.memory_space<vmem>>
        %dma_wait3A_158 = arith.constant 0 : i32
        %dma_wait3A_159 = arith.constant 0 : i32
        %dma_wait3A_160 = tpu.memref_slice %arg17[%dma_wait3A_158, %dma_wait3A_159] : memref<10112x64xf32, #tpu.memory_space<vmem_shared>> -> memref<10112x64xf32, #tpu.memory_space<vmem_shared>>
        tpu.wait_indirect_dma semaphore(%run_scoped3A_148 : memref<!tpu.dma_semaphore, #tpu.memory_space<semaphore_mem>>) src(%arg13 : memref<128x64xf32, #tpu.memory_space<vmem>>) dst(%dma_wait3A_160 : memref<10112x64xf32, #tpu.memory_space<vmem_shared>>)
        tpu.yield
      }) : () -> ()
      %add3A_108 = arith.constant 4 : i32
      %add3A_109 = arith.addi %add3A_101, %add3A_108 : i32
      %dma_start3A_110 = arith.constant 0 : i32
      %dma_start3A_111 = tpu.memref_slice %arg10[%add3A_109, %dma_start3A_110] : memref<157x128xi32, #tpu.memory_space<vmem>> -> memref<1x128xi32, #tpu.memory_space<vmem>>
      %dma_start3A_112 = tpu.memref_squeeze %dma_start3A_111 : memref<1x128xi32, #tpu.memory_space<vmem>> -> memref<128xi32, #tpu.memory_space<vmem>>
      %dma_start3A_113 = arith.constant 0 : i32
      %dma_start3A_114 = arith.constant 0 : i32
      %dma_start3A_115 = tpu.memref_slice %arg2[%dma_start3A_113, %dma_start3A_114] : memref<20000x64xf32, #tpu.memory_space<hbm>> -> memref<20000x64xf32, #tpu.memory_space<hbm>>
      tpu.enqueue_indirect_dma source(%dma_start3A_115 : memref<20000x64xf32, #tpu.memory_space<hbm>>) target(%arg13 : memref<128x64xf32, #tpu.memory_space<vmem>>) offsets(%dma_start3A_112 : memref<128xi32, #tpu.memory_space<vmem>>) semaphore(%arg20 : memref<!tpu.dma_semaphore, #tpu.memory_space<semaphore_mem>>)
      %add3A_116 = arith.constant 2 : i32
      %add3A_117 = arith.addi %mul3A_83, %add3A_116 : i32
      %dma_wait3A_118 = arith.constant 0 : i32
      %dma_wait3A_119 = tpu.memref_slice %arg10[%add3A_117, %dma_wait3A_118] : memref<157x128xi32, #tpu.memory_space<vmem>> -> memref<1x128xi32, #tpu.memory_space<vmem>>
      %dma_wait3A_120 = tpu.memref_squeeze %dma_wait3A_119 : memref<1x128xi32, #tpu.memory_space<vmem>> -> memref<128xi32, #tpu.memory_space<vmem>>
      %dma_wait3A_121 = arith.constant 0 : i32
      %dma_wait3A_122 = arith.constant 0 : i32
      %dma_wait3A_123 = tpu.memref_slice %arg2[%dma_wait3A_121, %dma_wait3A_122] : memref<20000x64xf32, #tpu.memory_space<hbm>> -> memref<20000x64xf32, #tpu.memory_space<hbm>>
      tpu.wait_indirect_dma semaphore(%arg21 : memref<!tpu.dma_semaphore, #tpu.memory_space<semaphore_mem>>) src(%dma_wait3A_123 : memref<20000x64xf32, #tpu.memory_space<hbm>>) dst(%arg14 : memref<128x64xf32, #tpu.memory_space<vmem>>)
      "tpu.region"() ({
        %run_scoped3A_148 = tpu.sem_alloc : memref<!tpu.dma_semaphore, #tpu.memory_space<semaphore_mem>>
        %dma_start3A_149 = arith.constant 0 : i32
        %dma_start3A_150 = tpu.memref_slice %arg11[%add3A_117, %dma_start3A_149] : memref<157x128xi32, #tpu.memory_space<vmem>> -> memref<1x128xi32, #tpu.memory_space<vmem>>
        %dma_start3A_151 = tpu.memref_squeeze %dma_start3A_150 : memref<1x128xi32, #tpu.memory_space<vmem>> -> memref<128xi32, #tpu.memory_space<vmem>>
        %dma_start3A_152 = arith.constant 0 : i32
        %dma_start3A_153 = arith.constant 0 : i32
        %dma_start3A_154 = tpu.memref_slice %arg17[%dma_start3A_152, %dma_start3A_153] : memref<10112x64xf32, #tpu.memory_space<vmem_shared>> -> memref<10112x64xf32, #tpu.memory_space<vmem_shared>>
        tpu.enqueue_indirect_dma source(%arg14 : memref<128x64xf32, #tpu.memory_space<vmem>>) target(%dma_start3A_154 : memref<10112x64xf32, #tpu.memory_space<vmem_shared>>) offsets(%dma_start3A_151 : memref<128xi32, #tpu.memory_space<vmem>>) semaphore(%run_scoped3A_148 : memref<!tpu.dma_semaphore, #tpu.memory_space<semaphore_mem>>) {add = true}
        %dma_wait3A_155 = arith.constant 0 : i32
        %dma_wait3A_156 = tpu.memref_slice %arg11[%add3A_117, %dma_wait3A_155] : memref<157x128xi32, #tpu.memory_space<vmem>> -> memref<1x128xi32, #tpu.memory_space<vmem>>
        %dma_wait3A_157 = tpu.memref_squeeze %dma_wait3A_156 : memref<1x128xi32, #tpu.memory_space<vmem>> -> memref<128xi32, #tpu.memory_space<vmem>>
        %dma_wait3A_158 = arith.constant 0 : i32
        %dma_wait3A_159 = arith.constant 0 : i32
        %dma_wait3A_160 = tpu.memref_slice %arg17[%dma_wait3A_158, %dma_wait3A_159] : memref<10112x64xf32, #tpu.memory_space<vmem_shared>> -> memref<10112x64xf32, #tpu.memory_space<vmem_shared>>
        tpu.wait_indirect_dma semaphore(%run_scoped3A_148 : memref<!tpu.dma_semaphore, #tpu.memory_space<semaphore_mem>>) src(%arg14 : memref<128x64xf32, #tpu.memory_space<vmem>>) dst(%dma_wait3A_160 : memref<10112x64xf32, #tpu.memory_space<vmem_shared>>)
        tpu.yield
      }) : () -> ()
      %add3A_124 = arith.constant 4 : i32
      %add3A_125 = arith.addi %add3A_117, %add3A_124 : i32
      %dma_start3A_126 = arith.constant 0 : i32
      %dma_start3A_127 = tpu.memref_slice %arg10[%add3A_125, %dma_start3A_126] : memref<157x128xi32, #tpu.memory_space<vmem>> -> memref<1x128xi32, #tpu.memory_space<vmem>>
      %dma_start3A_128 = tpu.memref_squeeze %dma_start3A_127 : memref<1x128xi32, #tpu.memory_space<vmem>> -> memref<128xi32, #tpu.memory_space<vmem>>
      %dma_start3A_129 = arith.constant 0 : i32
      %dma_start3A_130 = arith.constant 0 : i32
      %dma_start3A_131 = tpu.memref_slice %arg2[%dma_start3A_129, %dma_start3A_130] : memref<20000x64xf32, #tpu.memory_space<hbm>> -> memref<20000x64xf32, #tpu.memory_space<hbm>>
      tpu.enqueue_indirect_dma source(%dma_start3A_131 : memref<20000x64xf32, #tpu.memory_space<hbm>>) target(%arg14 : memref<128x64xf32, #tpu.memory_space<vmem>>) offsets(%dma_start3A_128 : memref<128xi32, #tpu.memory_space<vmem>>) semaphore(%arg21 : memref<!tpu.dma_semaphore, #tpu.memory_space<semaphore_mem>>)
      %add3A_132 = arith.constant 3 : i32
      %add3A_133 = arith.addi %mul3A_83, %add3A_132 : i32
      %dma_wait3A_134 = arith.constant 0 : i32
      %dma_wait3A_135 = tpu.memref_slice %arg10[%add3A_133, %dma_wait3A_134] : memref<157x128xi32, #tpu.memory_space<vmem>> -> memref<1x128xi32, #tpu.memory_space<vmem>>
      %dma_wait3A_136 = tpu.memref_squeeze %dma_wait3A_135 : memref<1x128xi32, #tpu.memory_space<vmem>> -> memref<128xi32, #tpu.memory_space<vmem>>
      %dma_wait3A_137 = arith.constant 0 : i32
      %dma_wait3A_138 = arith.constant 0 : i32
      %dma_wait3A_139 = tpu.memref_slice %arg2[%dma_wait3A_137, %dma_wait3A_138] : memref<20000x64xf32, #tpu.memory_space<hbm>> -> memref<20000x64xf32, #tpu.memory_space<hbm>>
      tpu.wait_indirect_dma semaphore(%arg22 : memref<!tpu.dma_semaphore, #tpu.memory_space<semaphore_mem>>) src(%dma_wait3A_139 : memref<20000x64xf32, #tpu.memory_space<hbm>>) dst(%arg15 : memref<128x64xf32, #tpu.memory_space<vmem>>)
      "tpu.region"() ({
        %run_scoped3A_148 = tpu.sem_alloc : memref<!tpu.dma_semaphore, #tpu.memory_space<semaphore_mem>>
        %dma_start3A_149 = arith.constant 0 : i32
        %dma_start3A_150 = tpu.memref_slice %arg11[%add3A_133, %dma_start3A_149] : memref<157x128xi32, #tpu.memory_space<vmem>> -> memref<1x128xi32, #tpu.memory_space<vmem>>
        %dma_start3A_151 = tpu.memref_squeeze %dma_start3A_150 : memref<1x128xi32, #tpu.memory_space<vmem>> -> memref<128xi32, #tpu.memory_space<vmem>>
        %dma_start3A_152 = arith.constant 0 : i32
        %dma_start3A_153 = arith.constant 0 : i32
        %dma_start3A_154 = tpu.memref_slice %arg17[%dma_start3A_152, %dma_start3A_153] : memref<10112x64xf32, #tpu.memory_space<vmem_shared>> -> memref<10112x64xf32, #tpu.memory_space<vmem_shared>>
        tpu.enqueue_indirect_dma source(%arg15 : memref<128x64xf32, #tpu.memory_space<vmem>>) target(%dma_start3A_154 : memref<10112x64xf32, #tpu.memory_space<vmem_shared>>) offsets(%dma_start3A_151 : memref<128xi32, #tpu.memory_space<vmem>>) semaphore(%run_scoped3A_148 : memref<!tpu.dma_semaphore, #tpu.memory_space<semaphore_mem>>) {add = true}
        %dma_wait3A_155 = arith.constant 0 : i32
        %dma_wait3A_156 = tpu.memref_slice %arg11[%add3A_133, %dma_wait3A_155] : memref<157x128xi32, #tpu.memory_space<vmem>> -> memref<1x128xi32, #tpu.memory_space<vmem>>
        %dma_wait3A_157 = tpu.memref_squeeze %dma_wait3A_156 : memref<1x128xi32, #tpu.memory_space<vmem>> -> memref<128xi32, #tpu.memory_space<vmem>>
        %dma_wait3A_158 = arith.constant 0 : i32
        %dma_wait3A_159 = arith.constant 0 : i32
        %dma_wait3A_160 = tpu.memref_slice %arg17[%dma_wait3A_158, %dma_wait3A_159] : memref<10112x64xf32, #tpu.memory_space<vmem_shared>> -> memref<10112x64xf32, #tpu.memory_space<vmem_shared>>
        tpu.wait_indirect_dma semaphore(%run_scoped3A_148 : memref<!tpu.dma_semaphore, #tpu.memory_space<semaphore_mem>>) src(%arg15 : memref<128x64xf32, #tpu.memory_space<vmem>>) dst(%dma_wait3A_160 : memref<10112x64xf32, #tpu.memory_space<vmem_shared>>)
        tpu.yield
      }) : () -> ()
      %add3A_140 = arith.constant 4 : i32
      %add3A_141 = arith.addi %add3A_133, %add3A_140 : i32
      %dma_start3A_142 = arith.constant 0 : i32
      %dma_start3A_143 = tpu.memref_slice %arg10[%add3A_141, %dma_start3A_142] : memref<157x128xi32, #tpu.memory_space<vmem>> -> memref<1x128xi32, #tpu.memory_space<vmem>>
      %dma_start3A_144 = tpu.memref_squeeze %dma_start3A_143 : memref<1x128xi32, #tpu.memory_space<vmem>> -> memref<128xi32, #tpu.memory_space<vmem>>
      %dma_start3A_145 = arith.constant 0 : i32
      %dma_start3A_146 = arith.constant 0 : i32
      %dma_start3A_147 = tpu.memref_slice %arg2[%dma_start3A_145, %dma_start3A_146] : memref<20000x64xf32, #tpu.memory_space<hbm>> -> memref<20000x64xf32, #tpu.memory_space<hbm>>
      tpu.enqueue_indirect_dma source(%dma_start3A_147 : memref<20000x64xf32, #tpu.memory_space<hbm>>) target(%arg15 : memref<128x64xf32, #tpu.memory_space<vmem>>) offsets(%dma_start3A_144 : memref<128xi32, #tpu.memory_space<vmem>>) semaphore(%arg22 : memref<!tpu.dma_semaphore, #tpu.memory_space<semaphore_mem>>)
    }
    %scan3A_34 = arith.constant 38 : i32
    %dma_wait3A = arith.constant 152 : i32
    %dma_wait3A_35 = arith.constant 0 : i32
    %dma_wait3A_36 = tpu.memref_slice %arg10[%dma_wait3A, %dma_wait3A_35] : memref<157x128xi32, #tpu.memory_space<vmem>> -> memref<1x128xi32, #tpu.memory_space<vmem>>
    %dma_wait3A_37 = tpu.memref_squeeze %dma_wait3A_36 : memref<1x128xi32, #tpu.memory_space<vmem>> -> memref<128xi32, #tpu.memory_space<vmem>>
    %dma_wait3A_38 = arith.constant 0 : i32
    %dma_wait3A_39 = arith.constant 0 : i32
    %dma_wait3A_40 = tpu.memref_slice %arg2[%dma_wait3A_38, %dma_wait3A_39] : memref<20000x64xf32, #tpu.memory_space<hbm>> -> memref<20000x64xf32, #tpu.memory_space<hbm>>
    tpu.wait_indirect_dma semaphore(%arg19 : memref<!tpu.dma_semaphore, #tpu.memory_space<semaphore_mem>>) src(%dma_wait3A_40 : memref<20000x64xf32, #tpu.memory_space<hbm>>) dst(%arg12 : memref<128x64xf32, #tpu.memory_space<vmem>>)
    %run_scoped3A = arith.constant 152 : i32
    "tpu.region"() ({
      %run_scoped3A_81 = tpu.sem_alloc : memref<!tpu.dma_semaphore, #tpu.memory_space<semaphore_mem>>
      %dma_start3A_82 = arith.constant 0 : i32
      %dma_start3A_83 = tpu.memref_slice %arg11[%run_scoped3A, %dma_start3A_82] : memref<157x128xi32, #tpu.memory_space<vmem>> -> memref<1x128xi32, #tpu.memory_space<vmem>>
      %dma_start3A_84 = tpu.memref_squeeze %dma_start3A_83 : memref<1x128xi32, #tpu.memory_space<vmem>> -> memref<128xi32, #tpu.memory_space<vmem>>
      %dma_start3A_85 = arith.constant 0 : i32
      %dma_start3A_86 = arith.constant 0 : i32
      %dma_start3A_87 = tpu.memref_slice %arg17[%dma_start3A_85, %dma_start3A_86] : memref<10112x64xf32, #tpu.memory_space<vmem_shared>> -> memref<10112x64xf32, #tpu.memory_space<vmem_shared>>
      tpu.enqueue_indirect_dma source(%arg12 : memref<128x64xf32, #tpu.memory_space<vmem>>) target(%dma_start3A_87 : memref<10112x64xf32, #tpu.memory_space<vmem_shared>>) offsets(%dma_start3A_84 : memref<128xi32, #tpu.memory_space<vmem>>) semaphore(%run_scoped3A_81 : memref<!tpu.dma_semaphore, #tpu.memory_space<semaphore_mem>>) {add = true}
      %dma_wait3A_88 = arith.constant 0 : i32
      %dma_wait3A_89 = tpu.memref_slice %arg11[%run_scoped3A, %dma_wait3A_88] : memref<157x128xi32, #tpu.memory_space<vmem>> -> memref<1x128xi32, #tpu.memory_space<vmem>>
      %dma_wait3A_90 = tpu.memref_squeeze %dma_wait3A_89 : memref<1x128xi32, #tpu.memory_space<vmem>> -> memref<128xi32, #tpu.memory_space<vmem>>
      %dma_wait3A_91 = arith.constant 0 : i32
      %dma_wait3A_92 = arith.constant 0 : i32
      %dma_wait3A_93 = tpu.memref_slice %arg17[%dma_wait3A_91, %dma_wait3A_92] : memref<10112x64xf32, #tpu.memory_space<vmem_shared>> -> memref<10112x64xf32, #tpu.memory_space<vmem_shared>>
      tpu.wait_indirect_dma semaphore(%run_scoped3A_81 : memref<!tpu.dma_semaphore, #tpu.memory_space<semaphore_mem>>) src(%arg12 : memref<128x64xf32, #tpu.memory_space<vmem>>) dst(%dma_wait3A_93 : memref<10112x64xf32, #tpu.memory_space<vmem_shared>>)
      tpu.yield
    }) : () -> ()
    %dma_wait3A_41 = arith.constant 153 : i32
    %dma_wait3A_42 = arith.constant 0 : i32
    %dma_wait3A_43 = tpu.memref_slice %arg10[%dma_wait3A_41, %dma_wait3A_42] : memref<157x128xi32, #tpu.memory_space<vmem>> -> memref<1x128xi32, #tpu.memory_space<vmem>>
    %dma_wait3A_44 = tpu.memref_squeeze %dma_wait3A_43 : memref<1x128xi32, #tpu.memory_space<vmem>> -> memref<128xi32, #tpu.memory_space<vmem>>
    %dma_wait3A_45 = arith.constant 0 : i32
    %dma_wait3A_46 = arith.constant 0 : i32
    %dma_wait3A_47 = tpu.memref_slice %arg2[%dma_wait3A_45, %dma_wait3A_46] : memref<20000x64xf32, #tpu.memory_space<hbm>> -> memref<20000x64xf32, #tpu.memory_space<hbm>>
    tpu.wait_indirect_dma semaphore(%arg20 : memref<!tpu.dma_semaphore, #tpu.memory_space<semaphore_mem>>) src(%dma_wait3A_47 : memref<20000x64xf32, #tpu.memory_space<hbm>>) dst(%arg13 : memref<128x64xf32, #tpu.memory_space<vmem>>)
    %run_scoped3A_48 = arith.constant 153 : i32
    "tpu.region"() ({
      %run_scoped3A_81 = tpu.sem_alloc : memref<!tpu.dma_semaphore, #tpu.memory_space<semaphore_mem>>
      %dma_start3A_82 = arith.constant 0 : i32
      %dma_start3A_83 = tpu.memref_slice %arg11[%run_scoped3A_48, %dma_start3A_82] : memref<157x128xi32, #tpu.memory_space<vmem>> -> memref<1x128xi32, #tpu.memory_space<vmem>>
      %dma_start3A_84 = tpu.memref_squeeze %dma_start3A_83 : memref<1x128xi32, #tpu.memory_space<vmem>> -> memref<128xi32, #tpu.memory_space<vmem>>
      %dma_start3A_85 = arith.constant 0 : i32
      %dma_start3A_86 = arith.constant 0 : i32
      %dma_start3A_87 = tpu.memref_slice %arg17[%dma_start3A_85, %dma_start3A_86] : memref<10112x64xf32, #tpu.memory_space<vmem_shared>> -> memref<10112x64xf32, #tpu.memory_space<vmem_shared>>
      tpu.enqueue_indirect_dma source(%arg13 : memref<128x64xf32, #tpu.memory_space<vmem>>) target(%dma_start3A_87 : memref<10112x64xf32, #tpu.memory_space<vmem_shared>>) offsets(%dma_start3A_84 : memref<128xi32, #tpu.memory_space<vmem>>) semaphore(%run_scoped3A_81 : memref<!tpu.dma_semaphore, #tpu.memory_space<semaphore_mem>>) {add = true}
      %dma_wait3A_88 = arith.constant 0 : i32
      %dma_wait3A_89 = tpu.memref_slice %arg11[%run_scoped3A_48, %dma_wait3A_88] : memref<157x128xi32, #tpu.memory_space<vmem>> -> memref<1x128xi32, #tpu.memory_space<vmem>>
      %dma_wait3A_90 = tpu.memref_squeeze %dma_wait3A_89 : memref<1x128xi32, #tpu.memory_space<vmem>> -> memref<128xi32, #tpu.memory_space<vmem>>
      %dma_wait3A_91 = arith.constant 0 : i32
      %dma_wait3A_92 = arith.constant 0 : i32
      %dma_wait3A_93 = tpu.memref_slice %arg17[%dma_wait3A_91, %dma_wait3A_92] : memref<10112x64xf32, #tpu.memory_space<vmem_shared>> -> memref<10112x64xf32, #tpu.memory_space<vmem_shared>>
      tpu.wait_indirect_dma semaphore(%run_scoped3A_81 : memref<!tpu.dma_semaphore, #tpu.memory_space<semaphore_mem>>) src(%arg13 : memref<128x64xf32, #tpu.memory_space<vmem>>) dst(%dma_wait3A_93 : memref<10112x64xf32, #tpu.memory_space<vmem_shared>>)
      tpu.yield
    }) : () -> ()
    %dma_wait3A_49 = arith.constant 154 : i32
    %dma_wait3A_50 = arith.constant 0 : i32
    %dma_wait3A_51 = tpu.memref_slice %arg10[%dma_wait3A_49, %dma_wait3A_50] : memref<157x128xi32, #tpu.memory_space<vmem>> -> memref<1x128xi32, #tpu.memory_space<vmem>>
    %dma_wait3A_52 = tpu.memref_squeeze %dma_wait3A_51 : memref<1x128xi32, #tpu.memory_space<vmem>> -> memref<128xi32, #tpu.memory_space<vmem>>
    %dma_wait3A_53 = arith.constant 0 : i32
    %dma_wait3A_54 = arith.constant 0 : i32
    %dma_wait3A_55 = tpu.memref_slice %arg2[%dma_wait3A_53, %dma_wait3A_54] : memref<20000x64xf32, #tpu.memory_space<hbm>> -> memref<20000x64xf32, #tpu.memory_space<hbm>>
    tpu.wait_indirect_dma semaphore(%arg21 : memref<!tpu.dma_semaphore, #tpu.memory_space<semaphore_mem>>) src(%dma_wait3A_55 : memref<20000x64xf32, #tpu.memory_space<hbm>>) dst(%arg14 : memref<128x64xf32, #tpu.memory_space<vmem>>)
    %run_scoped3A_56 = arith.constant 154 : i32
    "tpu.region"() ({
      %run_scoped3A_81 = tpu.sem_alloc : memref<!tpu.dma_semaphore, #tpu.memory_space<semaphore_mem>>
      %dma_start3A_82 = arith.constant 0 : i32
      %dma_start3A_83 = tpu.memref_slice %arg11[%run_scoped3A_56, %dma_start3A_82] : memref<157x128xi32, #tpu.memory_space<vmem>> -> memref<1x128xi32, #tpu.memory_space<vmem>>
      %dma_start3A_84 = tpu.memref_squeeze %dma_start3A_83 : memref<1x128xi32, #tpu.memory_space<vmem>> -> memref<128xi32, #tpu.memory_space<vmem>>
      %dma_start3A_85 = arith.constant 0 : i32
      %dma_start3A_86 = arith.constant 0 : i32
      %dma_start3A_87 = tpu.memref_slice %arg17[%dma_start3A_85, %dma_start3A_86] : memref<10112x64xf32, #tpu.memory_space<vmem_shared>> -> memref<10112x64xf32, #tpu.memory_space<vmem_shared>>
      tpu.enqueue_indirect_dma source(%arg14 : memref<128x64xf32, #tpu.memory_space<vmem>>) target(%dma_start3A_87 : memref<10112x64xf32, #tpu.memory_space<vmem_shared>>) offsets(%dma_start3A_84 : memref<128xi32, #tpu.memory_space<vmem>>) semaphore(%run_scoped3A_81 : memref<!tpu.dma_semaphore, #tpu.memory_space<semaphore_mem>>) {add = true}
      %dma_wait3A_88 = arith.constant 0 : i32
      %dma_wait3A_89 = tpu.memref_slice %arg11[%run_scoped3A_56, %dma_wait3A_88] : memref<157x128xi32, #tpu.memory_space<vmem>> -> memref<1x128xi32, #tpu.memory_space<vmem>>
      %dma_wait3A_90 = tpu.memref_squeeze %dma_wait3A_89 : memref<1x128xi32, #tpu.memory_space<vmem>> -> memref<128xi32, #tpu.memory_space<vmem>>
      %dma_wait3A_91 = arith.constant 0 : i32
      %dma_wait3A_92 = arith.constant 0 : i32
      %dma_wait3A_93 = tpu.memref_slice %arg17[%dma_wait3A_91, %dma_wait3A_92] : memref<10112x64xf32, #tpu.memory_space<vmem_shared>> -> memref<10112x64xf32, #tpu.memory_space<vmem_shared>>
      tpu.wait_indirect_dma semaphore(%run_scoped3A_81 : memref<!tpu.dma_semaphore, #tpu.memory_space<semaphore_mem>>) src(%arg14 : memref<128x64xf32, #tpu.memory_space<vmem>>) dst(%dma_wait3A_93 : memref<10112x64xf32, #tpu.memory_space<vmem_shared>>)
      tpu.yield
    }) : () -> ()
    %dma_wait3A_57 = arith.constant 155 : i32
    %dma_wait3A_58 = arith.constant 0 : i32
    %dma_wait3A_59 = tpu.memref_slice %arg10[%dma_wait3A_57, %dma_wait3A_58] : memref<157x128xi32, #tpu.memory_space<vmem>> -> memref<1x128xi32, #tpu.memory_space<vmem>>
    %dma_wait3A_60 = tpu.memref_squeeze %dma_wait3A_59 : memref<1x128xi32, #tpu.memory_space<vmem>> -> memref<128xi32, #tpu.memory_space<vmem>>
    %dma_wait3A_61 = arith.constant 0 : i32
    %dma_wait3A_62 = arith.constant 0 : i32
    %dma_wait3A_63 = tpu.memref_slice %arg2[%dma_wait3A_61, %dma_wait3A_62] : memref<20000x64xf32, #tpu.memory_space<hbm>> -> memref<20000x64xf32, #tpu.memory_space<hbm>>
    tpu.wait_indirect_dma semaphore(%arg22 : memref<!tpu.dma_semaphore, #tpu.memory_space<semaphore_mem>>) src(%dma_wait3A_63 : memref<20000x64xf32, #tpu.memory_space<hbm>>) dst(%arg15 : memref<128x64xf32, #tpu.memory_space<vmem>>)
    %run_scoped3A_64 = arith.constant 155 : i32
    "tpu.region"() ({
      %run_scoped3A_81 = tpu.sem_alloc : memref<!tpu.dma_semaphore, #tpu.memory_space<semaphore_mem>>
      %dma_start3A_82 = arith.constant 0 : i32
      %dma_start3A_83 = tpu.memref_slice %arg11[%run_scoped3A_64, %dma_start3A_82] : memref<157x128xi32, #tpu.memory_space<vmem>> -> memref<1x128xi32, #tpu.memory_space<vmem>>
      %dma_start3A_84 = tpu.memref_squeeze %dma_start3A_83 : memref<1x128xi32, #tpu.memory_space<vmem>> -> memref<128xi32, #tpu.memory_space<vmem>>
      %dma_start3A_85 = arith.constant 0 : i32
      %dma_start3A_86 = arith.constant 0 : i32
      %dma_start3A_87 = tpu.memref_slice %arg17[%dma_start3A_85, %dma_start3A_86] : memref<10112x64xf32, #tpu.memory_space<vmem_shared>> -> memref<10112x64xf32, #tpu.memory_space<vmem_shared>>
      tpu.enqueue_indirect_dma source(%arg15 : memref<128x64xf32, #tpu.memory_space<vmem>>) target(%dma_start3A_87 : memref<10112x64xf32, #tpu.memory_space<vmem_shared>>) offsets(%dma_start3A_84 : memref<128xi32, #tpu.memory_space<vmem>>) semaphore(%run_scoped3A_81 : memref<!tpu.dma_semaphore, #tpu.memory_space<semaphore_mem>>) {add = true}
      %dma_wait3A_88 = arith.constant 0 : i32
      %dma_wait3A_89 = tpu.memref_slice %arg11[%run_scoped3A_64, %dma_wait3A_88] : memref<157x128xi32, #tpu.memory_space<vmem>> -> memref<1x128xi32, #tpu.memory_space<vmem>>
      %dma_wait3A_90 = tpu.memref_squeeze %dma_wait3A_89 : memref<1x128xi32, #tpu.memory_space<vmem>> -> memref<128xi32, #tpu.memory_space<vmem>>
      %dma_wait3A_91 = arith.constant 0 : i32
      %dma_wait3A_92 = arith.constant 0 : i32
      %dma_wait3A_93 = tpu.memref_slice %arg17[%dma_wait3A_91, %dma_wait3A_92] : memref<10112x64xf32, #tpu.memory_space<vmem_shared>> -> memref<10112x64xf32, #tpu.memory_space<vmem_shared>>
      tpu.wait_indirect_dma semaphore(%run_scoped3A_81 : memref<!tpu.dma_semaphore, #tpu.memory_space<semaphore_mem>>) src(%arg15 : memref<128x64xf32, #tpu.memory_space<vmem>>) dst(%dma_wait3A_93 : memref<10112x64xf32, #tpu.memory_space<vmem_shared>>)
      tpu.yield
    }) : () -> ()
    %dma_start3A_65 = arith.constant 156 : i32
    %dma_start3A_66 = arith.constant 0 : i32
    %dma_start3A_67 = tpu.memref_slice %arg10[%dma_start3A_65, %dma_start3A_66] : memref<157x128xi32, #tpu.memory_space<vmem>> -> memref<1x128xi32, #tpu.memory_space<vmem>>
    %dma_start3A_68 = tpu.memref_squeeze %dma_start3A_67 : memref<1x128xi32, #tpu.memory_space<vmem>> -> memref<128xi32, #tpu.memory_space<vmem>>
    %dma_start3A_69 = arith.constant 0 : i32
    %dma_start3A_70 = arith.constant 0 : i32
    %dma_start3A_71 = tpu.memref_slice %arg2[%dma_start3A_69, %dma_start3A_70] : memref<20000x64xf32, #tpu.memory_space<hbm>> -> memref<20000x64xf32, #tpu.memory_space<hbm>>
    tpu.enqueue_indirect_dma source(%dma_start3A_71 : memref<20000x64xf32, #tpu.memory_space<hbm>>) target(%arg12 : memref<128x64xf32, #tpu.memory_space<vmem>>) offsets(%dma_start3A_68 : memref<128xi32, #tpu.memory_space<vmem>>) semaphore(%arg19 : memref<!tpu.dma_semaphore, #tpu.memory_space<semaphore_mem>>)
    %dma_wait3A_72 = arith.constant 156 : i32
    %dma_wait3A_73 = arith.constant 0 : i32
    %dma_wait3A_74 = tpu.memref_slice %arg10[%dma_wait3A_72, %dma_wait3A_73] : memref<157x128xi32, #tpu.memory_space<vmem>> -> memref<1x128xi32, #tpu.memory_space<vmem>>
    %dma_wait3A_75 = tpu.memref_squeeze %dma_wait3A_74 : memref<1x128xi32, #tpu.memory_space<vmem>> -> memref<128xi32, #tpu.memory_space<vmem>>
    %dma_wait3A_76 = arith.constant 0 : i32
    %dma_wait3A_77 = arith.constant 0 : i32
    %dma_wait3A_78 = tpu.memref_slice %arg2[%dma_wait3A_76, %dma_wait3A_77] : memref<20000x64xf32, #tpu.memory_space<hbm>> -> memref<20000x64xf32, #tpu.memory_space<hbm>>
    tpu.wait_indirect_dma semaphore(%arg19 : memref<!tpu.dma_semaphore, #tpu.memory_space<semaphore_mem>>) src(%dma_wait3A_78 : memref<20000x64xf32, #tpu.memory_space<hbm>>) dst(%arg12 : memref<128x64xf32, #tpu.memory_space<vmem>>)
    %run_scoped3A_79 = arith.constant 156 : i32
    "tpu.region"() ({
      %run_scoped3A_81 = tpu.sem_alloc : memref<!tpu.dma_semaphore, #tpu.memory_space<semaphore_mem>>
      %dma_start3A_82 = arith.constant 0 : i32
      %dma_start3A_83 = tpu.memref_slice %arg11[%run_scoped3A_79, %dma_start3A_82] : memref<157x128xi32, #tpu.memory_space<vmem>> -> memref<1x128xi32, #tpu.memory_space<vmem>>
      %dma_start3A_84 = tpu.memref_squeeze %dma_start3A_83 : memref<1x128xi32, #tpu.memory_space<vmem>> -> memref<128xi32, #tpu.memory_space<vmem>>
      %dma_start3A_85 = arith.constant 0 : i32
      %dma_start3A_86 = arith.constant 0 : i32
      %dma_start3A_87 = tpu.memref_slice %arg17[%dma_start3A_85, %dma_start3A_86] : memref<10112x64xf32, #tpu.memory_space<vmem_shared>> -> memref<10112x64xf32, #tpu.memory_space<vmem_shared>>
      tpu.enqueue_indirect_dma source(%arg12 : memref<128x64xf32, #tpu.memory_space<vmem>>) target(%dma_start3A_87 : memref<10112x64xf32, #tpu.memory_space<vmem_shared>>) offsets(%dma_start3A_84 : memref<128xi32, #tpu.memory_space<vmem>>) semaphore(%run_scoped3A_81 : memref<!tpu.dma_semaphore, #tpu.memory_space<semaphore_mem>>) {add = true}
      %dma_wait3A_88 = arith.constant 0 : i32
      %dma_wait3A_89 = tpu.memref_slice %arg11[%run_scoped3A_79, %dma_wait3A_88] : memref<157x128xi32, #tpu.memory_space<vmem>> -> memref<1x128xi32, #tpu.memory_space<vmem>>
      %dma_wait3A_90 = tpu.memref_squeeze %dma_wait3A_89 : memref<1x128xi32, #tpu.memory_space<vmem>> -> memref<128xi32, #tpu.memory_space<vmem>>
      %dma_wait3A_91 = arith.constant 0 : i32
      %dma_wait3A_92 = arith.constant 0 : i32
      %dma_wait3A_93 = tpu.memref_slice %arg17[%dma_wait3A_91, %dma_wait3A_92] : memref<10112x64xf32, #tpu.memory_space<vmem_shared>> -> memref<10112x64xf32, #tpu.memory_space<vmem_shared>>
      tpu.wait_indirect_dma semaphore(%run_scoped3A_81 : memref<!tpu.dma_semaphore, #tpu.memory_space<semaphore_mem>>) src(%arg12 : memref<128x64xf32, #tpu.memory_space<vmem>>) dst(%dma_wait3A_93 : memref<10112x64xf32, #tpu.memory_space<vmem_shared>>)
      tpu.yield
    }) : () -> ()
    %barrier3A_80 = arith.constant 0 : index
    tpu.barrier barrier_id(%barrier3A_80)
    "tpu.region"() ({
      %run_scoped3A_81 = tpu.sem_alloc : memref<!tpu.dma_semaphore, #tpu.memory_space<semaphore_mem>>
      %dma_start3A_82 = arith.constant 0 : i32
      %dma_start3A_83 = tpu.memref_slice %arg8[%arg0, %mul3A_2, %dma_start3A_82] : memref<2x10112x64xf32, #tpu.memory_space<hbm>> -> memref<1x632x64xf32, #tpu.memory_space<hbm>>
      %dma_start3A_84 = tpu.memref_squeeze %dma_start3A_83 : memref<1x632x64xf32, #tpu.memory_space<hbm>> -> memref<632x64xf32, #tpu.memory_space<hbm>>
      %dma_start3A_85 = arith.constant 0 : i32
      %dma_start3A_86 = tpu.memref_slice %arg17[%mul3A_2, %dma_start3A_85] : memref<10112x64xf32, #tpu.memory_space<vmem_shared>> -> memref<632x64xf32, #tpu.memory_space<vmem_shared>>
      tpu.enqueue_dma source(%dma_start3A_86 : memref<632x64xf32, #tpu.memory_space<vmem_shared>>) target(%dma_start3A_84 : memref<632x64xf32, #tpu.memory_space<hbm>>) target_semaphore(%run_scoped3A_81 : memref<!tpu.dma_semaphore, #tpu.memory_space<semaphore_mem>>)
      %dma_wait3A_87 = arith.constant 0 : i32
      %dma_wait3A_88 = tpu.memref_slice %arg8[%arg0, %mul3A_2, %dma_wait3A_87] : memref<2x10112x64xf32, #tpu.memory_space<hbm>> -> memref<1x632x64xf32, #tpu.memory_space<hbm>>
      %dma_wait3A_89 = tpu.memref_squeeze %dma_wait3A_88 : memref<1x632x64xf32, #tpu.memory_space<hbm>> -> memref<632x64xf32, #tpu.memory_space<hbm>>
      %dma_wait3A_90 = arith.constant 0 : i32
      %dma_wait3A_91 = tpu.memref_slice %arg17[%mul3A_2, %dma_wait3A_90] : memref<10112x64xf32, #tpu.memory_space<vmem_shared>> -> memref<632x64xf32, #tpu.memory_space<vmem_shared>>
      tpu.wait_dma2 semaphore(%run_scoped3A_81 : memref<!tpu.dma_semaphore, #tpu.memory_space<semaphore_mem>>) src(%dma_wait3A_91 : memref<632x64xf32, #tpu.memory_space<vmem_shared>>) dst(%dma_wait3A_89 : memref<632x64xf32, #tpu.memory_space<hbm>>)
      tpu.yield
    }) : () -> ()
    return
  }
}

#map = affine_map<(d0, d1) -> (0, 0)>
#map1 = affine_map<(d0, d1) -> (0, 0, 0)>
module attributes {stable_mosaic.version = 14 : i64} {
  func.func @_sc_body(%arg0: i32, %arg1: i32, %arg2: memref<20000x64xf32, #tpu.memory_space<hbm>>, %arg3: memref<32x157x128xi32, #tpu.memory_space<hbm>>, %arg4: memref<16x157x128xi32, #tpu.memory_space<hbm>>, %arg5: memref<632x64xf32, #tpu.memory_space<hbm>>, %arg6: memref<632x8xf32, #tpu.memory_space<hbm>>, %arg7: memref<128x8xf32, #tpu.memory_space<hbm>>, %arg8: memref<2x10112x64xf32, #tpu.memory_space<hbm>>, %arg9: memref<2x10112x8xf32, #tpu.memory_space<hbm>>, %arg10: memref<157x128xi32, #tpu.memory_space<vmem>>, %arg11: memref<157x128xi32, #tpu.memory_space<vmem>>, %arg12: memref<128x64xf32, #tpu.memory_space<vmem>>, %arg13: memref<128x64xf32, #tpu.memory_space<vmem>>, %arg14: memref<128x64xf32, #tpu.memory_space<vmem>>, %arg15: memref<128x64xf32, #tpu.memory_space<vmem>>, %arg16: memref<128x8xf32, #tpu.memory_space<vmem>>, %arg17: memref<10112x64xf32, #tpu.memory_space<vmem_shared>>, %arg18: memref<10112x8xf32, #tpu.memory_space<vmem_shared>>, %arg19: memref<!tpu.dma_semaphore, #tpu.memory_space<semaphore_mem>>, %arg20: memref<!tpu.dma_semaphore, #tpu.memory_space<semaphore_mem>>, %arg21: memref<!tpu.dma_semaphore, #tpu.memory_space<semaphore_mem>>, %arg22: memref<!tpu.dma_semaphore, #tpu.memory_space<semaphore_mem>>) attributes {dimension_semantics = [#tpu.dimension_semantics<core_parallel>, #tpu.dimension_semantics<subcore_parallel>], iteration_bounds = array<i64: 2, 16>, scalar_prefetch = 0 : i64, scratch_operands = 13 : i64, tpu.core_type = #tpu.core_type<sc_vector_subcore>, window_params = [{transform_indices = #map}, {transform_indices = #map1}, {transform_indices = #map1}, {transform_indices = #map}, {transform_indices = #map}, {transform_indices = #map}, {transform_indices = #map1}, {transform_indices = #map1}]} {
    %mul3A = arith.constant 16 : i32
    %mul3A_0 = arith.muli %arg0, %mul3A : i32
    %add3A = arith.addi %mul3A_0, %arg1 : i32
    "tpu.region"() ({
      %run_scoped3A_103 = tpu.sem_alloc : memref<!tpu.dma_semaphore, #tpu.memory_space<semaphore_mem>>
      %dma_start3A_104 = arith.constant 0 : i32
      %dma_start3A_105 = arith.constant 0 : i32
      %dma_start3A_106 = tpu.memref_slice %arg3[%add3A, %dma_start3A_104, %dma_start3A_105] : memref<32x157x128xi32, #tpu.memory_space<hbm>> -> memref<1x157x128xi32, #tpu.memory_space<hbm>>
      %dma_start3A_107 = tpu.memref_squeeze %dma_start3A_106 : memref<1x157x128xi32, #tpu.memory_space<hbm>> -> memref<157x128xi32, #tpu.memory_space<hbm>>
      %dma_start3A_108 = arith.constant 0 : i32
      %dma_start3A_109 = arith.constant 0 : i32
      %dma_start3A_110 = tpu.memref_slice %arg3[%add3A, %dma_start3A_108, %dma_start3A_109] : memref<32x157x128xi32, #tpu.memory_space<hbm>> -> memref<1x157x128xi32, #tpu.memory_space<hbm>>
      %dma_start3A_111 = tpu.memref_squeeze %dma_start3A_110 : memref<1x157x128xi32, #tpu.memory_space<hbm>> -> memref<157x128xi32, #tpu.memory_space<hbm>>
      tpu.enqueue_dma source(%dma_start3A_111 : memref<157x128xi32, #tpu.memory_space<hbm>>) target(%arg10 : memref<157x128xi32, #tpu.memory_space<vmem>>) target_semaphore(%run_scoped3A_103 : memref<!tpu.dma_semaphore, #tpu.memory_space<semaphore_mem>>)
      %dma_wait3A_112 = arith.constant 0 : i32
      %dma_wait3A_113 = arith.constant 0 : i32
      %dma_wait3A_114 = tpu.memref_slice %arg3[%add3A, %dma_wait3A_112, %dma_wait3A_113] : memref<32x157x128xi32, #tpu.memory_space<hbm>> -> memref<1x157x128xi32, #tpu.memory_space<hbm>>
      %dma_wait3A_115 = tpu.memref_squeeze %dma_wait3A_114 : memref<1x157x128xi32, #tpu.memory_space<hbm>> -> memref<157x128xi32, #tpu.memory_space<hbm>>
      %dma_wait3A_116 = arith.constant 0 : i32
      %dma_wait3A_117 = arith.constant 0 : i32
      %dma_wait3A_118 = tpu.memref_slice %arg3[%add3A, %dma_wait3A_116, %dma_wait3A_117] : memref<32x157x128xi32, #tpu.memory_space<hbm>> -> memref<1x157x128xi32, #tpu.memory_space<hbm>>
      %dma_wait3A_119 = tpu.memref_squeeze %dma_wait3A_118 : memref<1x157x128xi32, #tpu.memory_space<hbm>> -> memref<157x128xi32, #tpu.memory_space<hbm>>
      tpu.wait_dma2 semaphore(%run_scoped3A_103 : memref<!tpu.dma_semaphore, #tpu.memory_space<semaphore_mem>>) src(%dma_wait3A_119 : memref<157x128xi32, #tpu.memory_space<hbm>>) dst(%arg10 : memref<157x128xi32, #tpu.memory_space<vmem>>)
      tpu.yield
    }) : () -> ()
    "tpu.region"() ({
      %run_scoped3A_103 = tpu.sem_alloc : memref<!tpu.dma_semaphore, #tpu.memory_space<semaphore_mem>>
      %dma_start3A_104 = arith.constant 0 : i32
      %dma_start3A_105 = arith.constant 0 : i32
      %dma_start3A_106 = tpu.memref_slice %arg4[%arg1, %dma_start3A_104, %dma_start3A_105] : memref<16x157x128xi32, #tpu.memory_space<hbm>> -> memref<1x157x128xi32, #tpu.memory_space<hbm>>
      %dma_start3A_107 = tpu.memref_squeeze %dma_start3A_106 : memref<1x157x128xi32, #tpu.memory_space<hbm>> -> memref<157x128xi32, #tpu.memory_space<hbm>>
      %dma_start3A_108 = arith.constant 0 : i32
      %dma_start3A_109 = arith.constant 0 : i32
      %dma_start3A_110 = tpu.memref_slice %arg4[%arg1, %dma_start3A_108, %dma_start3A_109] : memref<16x157x128xi32, #tpu.memory_space<hbm>> -> memref<1x157x128xi32, #tpu.memory_space<hbm>>
      %dma_start3A_111 = tpu.memref_squeeze %dma_start3A_110 : memref<1x157x128xi32, #tpu.memory_space<hbm>> -> memref<157x128xi32, #tpu.memory_space<hbm>>
      tpu.enqueue_dma source(%dma_start3A_111 : memref<157x128xi32, #tpu.memory_space<hbm>>) target(%arg11 : memref<157x128xi32, #tpu.memory_space<vmem>>) target_semaphore(%run_scoped3A_103 : memref<!tpu.dma_semaphore, #tpu.memory_space<semaphore_mem>>)
      %dma_wait3A_112 = arith.constant 0 : i32
      %dma_wait3A_113 = arith.constant 0 : i32
      %dma_wait3A_114 = tpu.memref_slice %arg4[%arg1, %dma_wait3A_112, %dma_wait3A_113] : memref<16x157x128xi32, #tpu.memory_space<hbm>> -> memref<1x157x128xi32, #tpu.memory_space<hbm>>
      %dma_wait3A_115 = tpu.memref_squeeze %dma_wait3A_114 : memref<1x157x128xi32, #tpu.memory_space<hbm>> -> memref<157x128xi32, #tpu.memory_space<hbm>>
      %dma_wait3A_116 = arith.constant 0 : i32
      %dma_wait3A_117 = arith.constant 0 : i32
      %dma_wait3A_118 = tpu.memref_slice %arg4[%arg1, %dma_wait3A_116, %dma_wait3A_117] : memref<16x157x128xi32, #tpu.memory_space<hbm>> -> memref<1x157x128xi32, #tpu.memory_space<hbm>>
      %dma_wait3A_119 = tpu.memref_squeeze %dma_wait3A_118 : memref<1x157x128xi32, #tpu.memory_space<hbm>> -> memref<157x128xi32, #tpu.memory_space<hbm>>
      tpu.wait_dma2 semaphore(%run_scoped3A_103 : memref<!tpu.dma_semaphore, #tpu.memory_space<semaphore_mem>>) src(%dma_wait3A_119 : memref<157x128xi32, #tpu.memory_space<hbm>>) dst(%arg11 : memref<157x128xi32, #tpu.memory_space<vmem>>)
      tpu.yield
    }) : () -> ()
    "tpu.region"() ({
      %run_scoped3A_103 = tpu.sem_alloc : memref<!tpu.dma_semaphore, #tpu.memory_space<semaphore_mem>>
      tpu.enqueue_dma source(%arg7 : memref<128x8xf32, #tpu.memory_space<hbm>>) target(%arg16 : memref<128x8xf32, #tpu.memory_space<vmem>>) target_semaphore(%run_scoped3A_103 : memref<!tpu.dma_semaphore, #tpu.memory_space<semaphore_mem>>)
      tpu.wait_dma2 semaphore(%run_scoped3A_103 : memref<!tpu.dma_semaphore, #tpu.memory_space<semaphore_mem>>) src(%arg7 : memref<128x8xf32, #tpu.memory_space<hbm>>) dst(%arg16 : memref<128x8xf32, #tpu.memory_space<vmem>>)
      tpu.yield
    }) : () -> ()
    %mul3A_1 = arith.constant 632 : i32
    %mul3A_2 = arith.muli %arg1, %mul3A_1 : i32
    "tpu.region"() ({
      %run_scoped3A_103 = tpu.sem_alloc : memref<!tpu.dma_semaphore, #tpu.memory_space<semaphore_mem>>
      %dma_start3A_104 = arith.constant 0 : i32
      %dma_start3A_105 = tpu.memref_slice %arg17[%mul3A_2, %dma_start3A_104] : memref<10112x64xf32, #tpu.memory_space<vmem_shared>> -> memref<632x64xf32, #tpu.memory_space<vmem_shared>>
      tpu.enqueue_dma source(%arg5 : memref<632x64xf32, #tpu.memory_space<hbm>>) target(%dma_start3A_105 : memref<632x64xf32, #tpu.memory_space<vmem_shared>>) target_semaphore(%run_scoped3A_103 : memref<!tpu.dma_semaphore, #tpu.memory_space<semaphore_mem>>)
      %dma_wait3A_106 = arith.constant 0 : i32
      %dma_wait3A_107 = tpu.memref_slice %arg17[%mul3A_2, %dma_wait3A_106] : memref<10112x64xf32, #tpu.memory_space<vmem_shared>> -> memref<632x64xf32, #tpu.memory_space<vmem_shared>>
      tpu.wait_dma2 semaphore(%run_scoped3A_103 : memref<!tpu.dma_semaphore, #tpu.memory_space<semaphore_mem>>) src(%arg5 : memref<632x64xf32, #tpu.memory_space<hbm>>) dst(%dma_wait3A_107 : memref<632x64xf32, #tpu.memory_space<vmem_shared>>)
      tpu.yield
    }) : () -> ()
    "tpu.region"() ({
      %run_scoped3A_103 = tpu.sem_alloc : memref<!tpu.dma_semaphore, #tpu.memory_space<semaphore_mem>>
      %dma_start3A_104 = arith.constant 0 : i32
      %dma_start3A_105 = tpu.memref_slice %arg18[%mul3A_2, %dma_start3A_104] : memref<10112x8xf32, #tpu.memory_space<vmem_shared>> -> memref<632x8xf32, #tpu.memory_space<vmem_shared>>
      tpu.enqueue_dma source(%arg6 : memref<632x8xf32, #tpu.memory_space<hbm>>) target(%dma_start3A_105 : memref<632x8xf32, #tpu.memory_space<vmem_shared>>) target_semaphore(%run_scoped3A_103 : memref<!tpu.dma_semaphore, #tpu.memory_space<semaphore_mem>>)
      %dma_wait3A_106 = arith.constant 0 : i32
      %dma_wait3A_107 = tpu.memref_slice %arg18[%mul3A_2, %dma_wait3A_106] : memref<10112x8xf32, #tpu.memory_space<vmem_shared>> -> memref<632x8xf32, #tpu.memory_space<vmem_shared>>
      tpu.wait_dma2 semaphore(%run_scoped3A_103 : memref<!tpu.dma_semaphore, #tpu.memory_space<semaphore_mem>>) src(%arg6 : memref<632x8xf32, #tpu.memory_space<hbm>>) dst(%dma_wait3A_107 : memref<632x8xf32, #tpu.memory_space<vmem_shared>>)
      tpu.yield
    }) : () -> ()
    %barrier3A = arith.constant 0 : index
    tpu.barrier barrier_id(%barrier3A)
    %dma_start3A = arith.constant 0 : i32
    %dma_start3A_3 = arith.constant 0 : i32
    %dma_start3A_4 = tpu.memref_slice %arg10[%dma_start3A, %dma_start3A_3] : memref<157x128xi32, #tpu.memory_space<vmem>> -> memref<1x128xi32, #tpu.memory_space<vmem>>
    %dma_start3A_5 = tpu.memref_squeeze %dma_start3A_4 : memref<1x128xi32, #tpu.memory_space<vmem>> -> memref<128xi32, #tpu.memory_space<vmem>>
    %dma_start3A_6 = arith.constant 0 : i32
    %dma_start3A_7 = arith.constant 0 : i32
    %dma_start3A_8 = tpu.memref_slice %arg2[%dma_start3A_6, %dma_start3A_7] : memref<20000x64xf32, #tpu.memory_space<hbm>> -> memref<20000x64xf32, #tpu.memory_space<hbm>>
    tpu.enqueue_indirect_dma source(%dma_start3A_8 : memref<20000x64xf32, #tpu.memory_space<hbm>>) target(%arg12 : memref<128x64xf32, #tpu.memory_space<vmem>>) offsets(%dma_start3A_5 : memref<128xi32, #tpu.memory_space<vmem>>) semaphore(%arg19 : memref<!tpu.dma_semaphore, #tpu.memory_space<semaphore_mem>>)
    %dma_start3A_9 = arith.constant 1 : i32
    %dma_start3A_10 = arith.constant 0 : i32
    %dma_start3A_11 = tpu.memref_slice %arg10[%dma_start3A_9, %dma_start3A_10] : memref<157x128xi32, #tpu.memory_space<vmem>> -> memref<1x128xi32, #tpu.memory_space<vmem>>
    %dma_start3A_12 = tpu.memref_squeeze %dma_start3A_11 : memref<1x128xi32, #tpu.memory_space<vmem>> -> memref<128xi32, #tpu.memory_space<vmem>>
    %dma_start3A_13 = arith.constant 0 : i32
    %dma_start3A_14 = arith.constant 0 : i32
    %dma_start3A_15 = tpu.memref_slice %arg2[%dma_start3A_13, %dma_start3A_14] : memref<20000x64xf32, #tpu.memory_space<hbm>> -> memref<20000x64xf32, #tpu.memory_space<hbm>>
    tpu.enqueue_indirect_dma source(%dma_start3A_15 : memref<20000x64xf32, #tpu.memory_space<hbm>>) target(%arg13 : memref<128x64xf32, #tpu.memory_space<vmem>>) offsets(%dma_start3A_12 : memref<128xi32, #tpu.memory_space<vmem>>) semaphore(%arg20 : memref<!tpu.dma_semaphore, #tpu.memory_space<semaphore_mem>>)
    %dma_start3A_16 = arith.constant 2 : i32
    %dma_start3A_17 = arith.constant 0 : i32
    %dma_start3A_18 = tpu.memref_slice %arg10[%dma_start3A_16, %dma_start3A_17] : memref<157x128xi32, #tpu.memory_space<vmem>> -> memref<1x128xi32, #tpu.memory_space<vmem>>
    %dma_start3A_19 = tpu.memref_squeeze %dma_start3A_18 : memref<1x128xi32, #tpu.memory_space<vmem>> -> memref<128xi32, #tpu.memory_space<vmem>>
    %dma_start3A_20 = arith.constant 0 : i32
    %dma_start3A_21 = arith.constant 0 : i32
    %dma_start3A_22 = tpu.memref_slice %arg2[%dma_start3A_20, %dma_start3A_21] : memref<20000x64xf32, #tpu.memory_space<hbm>> -> memref<20000x64xf32, #tpu.memory_space<hbm>>
    tpu.enqueue_indirect_dma source(%dma_start3A_22 : memref<20000x64xf32, #tpu.memory_space<hbm>>) target(%arg14 : memref<128x64xf32, #tpu.memory_space<vmem>>) offsets(%dma_start3A_19 : memref<128xi32, #tpu.memory_space<vmem>>) semaphore(%arg21 : memref<!tpu.dma_semaphore, #tpu.memory_space<semaphore_mem>>)
    %dma_start3A_23 = arith.constant 3 : i32
    %dma_start3A_24 = arith.constant 0 : i32
    %dma_start3A_25 = tpu.memref_slice %arg10[%dma_start3A_23, %dma_start3A_24] : memref<157x128xi32, #tpu.memory_space<vmem>> -> memref<1x128xi32, #tpu.memory_space<vmem>>
    %dma_start3A_26 = tpu.memref_squeeze %dma_start3A_25 : memref<1x128xi32, #tpu.memory_space<vmem>> -> memref<128xi32, #tpu.memory_space<vmem>>
    %dma_start3A_27 = arith.constant 0 : i32
    %dma_start3A_28 = arith.constant 0 : i32
    %dma_start3A_29 = tpu.memref_slice %arg2[%dma_start3A_27, %dma_start3A_28] : memref<20000x64xf32, #tpu.memory_space<hbm>> -> memref<20000x64xf32, #tpu.memory_space<hbm>>
    tpu.enqueue_indirect_dma source(%dma_start3A_29 : memref<20000x64xf32, #tpu.memory_space<hbm>>) target(%arg15 : memref<128x64xf32, #tpu.memory_space<vmem>>) offsets(%dma_start3A_26 : memref<128xi32, #tpu.memory_space<vmem>>) semaphore(%arg22 : memref<!tpu.dma_semaphore, #tpu.memory_space<semaphore_mem>>)
    %scan3A = arith.constant 0 : i32
    %scan3A_30 = arith.constant 0 : i32
    %scan3A_31 = arith.constant 38 : i32
    %scan3A_32 = arith.addi %scan3A_30, %scan3A_31 : i32
    %scan3A_33 = arith.constant 1 : i32
    scf.for %scan3A_103 = %scan3A_30 to %scan3A_32 step %scan3A_33  : i32 {
      %mul3A_104 = arith.constant 4 : i32
      %mul3A_105 = arith.muli %mul3A_104, %scan3A_103 : i32
      %add3A_106 = arith.constant 0 : i32
      %add3A_107 = arith.addi %mul3A_105, %add3A_106 : i32
      %dma_wait3A_108 = arith.constant 0 : i32
      %dma_wait3A_109 = tpu.memref_slice %arg10[%add3A_107, %dma_wait3A_108] : memref<157x128xi32, #tpu.memory_space<vmem>> -> memref<1x128xi32, #tpu.memory_space<vmem>>
      %dma_wait3A_110 = tpu.memref_squeeze %dma_wait3A_109 : memref<1x128xi32, #tpu.memory_space<vmem>> -> memref<128xi32, #tpu.memory_space<vmem>>
      %dma_wait3A_111 = arith.constant 0 : i32
      %dma_wait3A_112 = arith.constant 0 : i32
      %dma_wait3A_113 = tpu.memref_slice %arg2[%dma_wait3A_111, %dma_wait3A_112] : memref<20000x64xf32, #tpu.memory_space<hbm>> -> memref<20000x64xf32, #tpu.memory_space<hbm>>
      tpu.wait_indirect_dma semaphore(%arg19 : memref<!tpu.dma_semaphore, #tpu.memory_space<semaphore_mem>>) src(%dma_wait3A_113 : memref<20000x64xf32, #tpu.memory_space<hbm>>) dst(%arg12 : memref<128x64xf32, #tpu.memory_space<vmem>>)
      "tpu.region"() ({
        %run_scoped3A_190 = tpu.sem_alloc : memref<!tpu.dma_semaphore, #tpu.memory_space<semaphore_mem>>
        %dma_start3A_191 = arith.constant 0 : i32
        %dma_start3A_192 = tpu.memref_slice %arg11[%add3A_107, %dma_start3A_191] : memref<157x128xi32, #tpu.memory_space<vmem>> -> memref<1x128xi32, #tpu.memory_space<vmem>>
        %dma_start3A_193 = tpu.memref_squeeze %dma_start3A_192 : memref<1x128xi32, #tpu.memory_space<vmem>> -> memref<128xi32, #tpu.memory_space<vmem>>
        %dma_start3A_194 = arith.constant 0 : i32
        %dma_start3A_195 = arith.constant 0 : i32
        %dma_start3A_196 = tpu.memref_slice %arg17[%dma_start3A_194, %dma_start3A_195] : memref<10112x64xf32, #tpu.memory_space<vmem_shared>> -> memref<10112x64xf32, #tpu.memory_space<vmem_shared>>
        tpu.enqueue_indirect_dma source(%arg12 : memref<128x64xf32, #tpu.memory_space<vmem>>) target(%dma_start3A_196 : memref<10112x64xf32, #tpu.memory_space<vmem_shared>>) offsets(%dma_start3A_193 : memref<128xi32, #tpu.memory_space<vmem>>) semaphore(%run_scoped3A_190 : memref<!tpu.dma_semaphore, #tpu.memory_space<semaphore_mem>>) {add = true}
        %dma_wait3A_197 = arith.constant 0 : i32
        %dma_wait3A_198 = tpu.memref_slice %arg11[%add3A_107, %dma_wait3A_197] : memref<157x128xi32, #tpu.memory_space<vmem>> -> memref<1x128xi32, #tpu.memory_space<vmem>>
        %dma_wait3A_199 = tpu.memref_squeeze %dma_wait3A_198 : memref<1x128xi32, #tpu.memory_space<vmem>> -> memref<128xi32, #tpu.memory_space<vmem>>
        %dma_wait3A_200 = arith.constant 0 : i32
        %dma_wait3A_201 = arith.constant 0 : i32
        %dma_wait3A_202 = tpu.memref_slice %arg17[%dma_wait3A_200, %dma_wait3A_201] : memref<10112x64xf32, #tpu.memory_space<vmem_shared>> -> memref<10112x64xf32, #tpu.memory_space<vmem_shared>>
        tpu.wait_indirect_dma semaphore(%run_scoped3A_190 : memref<!tpu.dma_semaphore, #tpu.memory_space<semaphore_mem>>) src(%arg12 : memref<128x64xf32, #tpu.memory_space<vmem>>) dst(%dma_wait3A_202 : memref<10112x64xf32, #tpu.memory_space<vmem_shared>>)
        tpu.yield
      }) : () -> ()
      %eq3A_114 = arith.constant 0 : i32
      %eq3A_115 = arith.cmpi eq, %arg0, %eq3A_114 : i32
      %convert_element_type3A_116 = arith.extui %eq3A_115 : i1 to i32
      %cond3A_117 = arith.constant 0 : i32
      %cond3A_118 = arith.cmpi ne, %convert_element_type3A_116, %cond3A_117 : i32
      scf.if %cond3A_118 {
        "tpu.region"() ({
          %run_scoped3A_190 = tpu.sem_alloc : memref<!tpu.dma_semaphore, #tpu.memory_space<semaphore_mem>>
          %dma_start3A_191 = arith.constant 0 : i32
          %dma_start3A_192 = tpu.memref_slice %arg11[%add3A_107, %dma_start3A_191] : memref<157x128xi32, #tpu.memory_space<vmem>> -> memref<1x128xi32, #tpu.memory_space<vmem>>
          %dma_start3A_193 = tpu.memref_squeeze %dma_start3A_192 : memref<1x128xi32, #tpu.memory_space<vmem>> -> memref<128xi32, #tpu.memory_space<vmem>>
          %dma_start3A_194 = arith.constant 0 : i32
          %dma_start3A_195 = arith.constant 0 : i32
          %dma_start3A_196 = tpu.memref_slice %arg18[%dma_start3A_194, %dma_start3A_195] : memref<10112x8xf32, #tpu.memory_space<vmem_shared>> -> memref<10112x8xf32, #tpu.memory_space<vmem_shared>>
          tpu.enqueue_indirect_dma source(%arg16 : memref<128x8xf32, #tpu.memory_space<vmem>>) target(%dma_start3A_196 : memref<10112x8xf32, #tpu.memory_space<vmem_shared>>) offsets(%dma_start3A_193 : memref<128xi32, #tpu.memory_space<vmem>>) semaphore(%run_scoped3A_190 : memref<!tpu.dma_semaphore, #tpu.memory_space<semaphore_mem>>) {add = true}
          %dma_wait3A_197 = arith.constant 0 : i32
          %dma_wait3A_198 = tpu.memref_slice %arg11[%add3A_107, %dma_wait3A_197] : memref<157x128xi32, #tpu.memory_space<vmem>> -> memref<1x128xi32, #tpu.memory_space<vmem>>
          %dma_wait3A_199 = tpu.memref_squeeze %dma_wait3A_198 : memref<1x128xi32, #tpu.memory_space<vmem>> -> memref<128xi32, #tpu.memory_space<vmem>>
          %dma_wait3A_200 = arith.constant 0 : i32
          %dma_wait3A_201 = arith.constant 0 : i32
          %dma_wait3A_202 = tpu.memref_slice %arg18[%dma_wait3A_200, %dma_wait3A_201] : memref<10112x8xf32, #tpu.memory_space<vmem_shared>> -> memref<10112x8xf32, #tpu.memory_space<vmem_shared>>
          tpu.wait_indirect_dma semaphore(%run_scoped3A_190 : memref<!tpu.dma_semaphore, #tpu.memory_space<semaphore_mem>>) src(%arg16 : memref<128x8xf32, #tpu.memory_space<vmem>>) dst(%dma_wait3A_202 : memref<10112x8xf32, #tpu.memory_space<vmem_shared>>)
          tpu.yield
        }) : () -> ()
      } else {
      }
      %add3A_119 = arith.constant 4 : i32
      %add3A_120 = arith.addi %add3A_107, %add3A_119 : i32
      %dma_start3A_121 = arith.constant 0 : i32
      %dma_start3A_122 = tpu.memref_slice %arg10[%add3A_120, %dma_start3A_121] : memref<157x128xi32, #tpu.memory_space<vmem>> -> memref<1x128xi32, #tpu.memory_space<vmem>>
      %dma_start3A_123 = tpu.memref_squeeze %dma_start3A_122 : memref<1x128xi32, #tpu.memory_space<vmem>> -> memref<128xi32, #tpu.memory_space<vmem>>
      %dma_start3A_124 = arith.constant 0 : i32
      %dma_start3A_125 = arith.constant 0 : i32
      %dma_start3A_126 = tpu.memref_slice %arg2[%dma_start3A_124, %dma_start3A_125] : memref<20000x64xf32, #tpu.memory_space<hbm>> -> memref<20000x64xf32, #tpu.memory_space<hbm>>
      tpu.enqueue_indirect_dma source(%dma_start3A_126 : memref<20000x64xf32, #tpu.memory_space<hbm>>) target(%arg12 : memref<128x64xf32, #tpu.memory_space<vmem>>) offsets(%dma_start3A_123 : memref<128xi32, #tpu.memory_space<vmem>>) semaphore(%arg19 : memref<!tpu.dma_semaphore, #tpu.memory_space<semaphore_mem>>)
      %add3A_127 = arith.constant 1 : i32
      %add3A_128 = arith.addi %mul3A_105, %add3A_127 : i32
      %dma_wait3A_129 = arith.constant 0 : i32
      %dma_wait3A_130 = tpu.memref_slice %arg10[%add3A_128, %dma_wait3A_129] : memref<157x128xi32, #tpu.memory_space<vmem>> -> memref<1x128xi32, #tpu.memory_space<vmem>>
      %dma_wait3A_131 = tpu.memref_squeeze %dma_wait3A_130 : memref<1x128xi32, #tpu.memory_space<vmem>> -> memref<128xi32, #tpu.memory_space<vmem>>
      %dma_wait3A_132 = arith.constant 0 : i32
      %dma_wait3A_133 = arith.constant 0 : i32
      %dma_wait3A_134 = tpu.memref_slice %arg2[%dma_wait3A_132, %dma_wait3A_133] : memref<20000x64xf32, #tpu.memory_space<hbm>> -> memref<20000x64xf32, #tpu.memory_space<hbm>>
      tpu.wait_indirect_dma semaphore(%arg20 : memref<!tpu.dma_semaphore, #tpu.memory_space<semaphore_mem>>) src(%dma_wait3A_134 : memref<20000x64xf32, #tpu.memory_space<hbm>>) dst(%arg13 : memref<128x64xf32, #tpu.memory_space<vmem>>)
      "tpu.region"() ({
        %run_scoped3A_190 = tpu.sem_alloc : memref<!tpu.dma_semaphore, #tpu.memory_space<semaphore_mem>>
        %dma_start3A_191 = arith.constant 0 : i32
        %dma_start3A_192 = tpu.memref_slice %arg11[%add3A_128, %dma_start3A_191] : memref<157x128xi32, #tpu.memory_space<vmem>> -> memref<1x128xi32, #tpu.memory_space<vmem>>
        %dma_start3A_193 = tpu.memref_squeeze %dma_start3A_192 : memref<1x128xi32, #tpu.memory_space<vmem>> -> memref<128xi32, #tpu.memory_space<vmem>>
        %dma_start3A_194 = arith.constant 0 : i32
        %dma_start3A_195 = arith.constant 0 : i32
        %dma_start3A_196 = tpu.memref_slice %arg17[%dma_start3A_194, %dma_start3A_195] : memref<10112x64xf32, #tpu.memory_space<vmem_shared>> -> memref<10112x64xf32, #tpu.memory_space<vmem_shared>>
        tpu.enqueue_indirect_dma source(%arg13 : memref<128x64xf32, #tpu.memory_space<vmem>>) target(%dma_start3A_196 : memref<10112x64xf32, #tpu.memory_space<vmem_shared>>) offsets(%dma_start3A_193 : memref<128xi32, #tpu.memory_space<vmem>>) semaphore(%run_scoped3A_190 : memref<!tpu.dma_semaphore, #tpu.memory_space<semaphore_mem>>) {add = true}
        %dma_wait3A_197 = arith.constant 0 : i32
        %dma_wait3A_198 = tpu.memref_slice %arg11[%add3A_128, %dma_wait3A_197] : memref<157x128xi32, #tpu.memory_space<vmem>> -> memref<1x128xi32, #tpu.memory_space<vmem>>
        %dma_wait3A_199 = tpu.memref_squeeze %dma_wait3A_198 : memref<1x128xi32, #tpu.memory_space<vmem>> -> memref<128xi32, #tpu.memory_space<vmem>>
        %dma_wait3A_200 = arith.constant 0 : i32
        %dma_wait3A_201 = arith.constant 0 : i32
        %dma_wait3A_202 = tpu.memref_slice %arg17[%dma_wait3A_200, %dma_wait3A_201] : memref<10112x64xf32, #tpu.memory_space<vmem_shared>> -> memref<10112x64xf32, #tpu.memory_space<vmem_shared>>
        tpu.wait_indirect_dma semaphore(%run_scoped3A_190 : memref<!tpu.dma_semaphore, #tpu.memory_space<semaphore_mem>>) src(%arg13 : memref<128x64xf32, #tpu.memory_space<vmem>>) dst(%dma_wait3A_202 : memref<10112x64xf32, #tpu.memory_space<vmem_shared>>)
        tpu.yield
      }) : () -> ()
      %eq3A_135 = arith.constant 1 : i32
      %eq3A_136 = arith.cmpi eq, %arg0, %eq3A_135 : i32
      %convert_element_type3A_137 = arith.extui %eq3A_136 : i1 to i32
      %cond3A_138 = arith.constant 0 : i32
      %cond3A_139 = arith.cmpi ne, %convert_element_type3A_137, %cond3A_138 : i32
      scf.if %cond3A_139 {
        "tpu.region"() ({
          %run_scoped3A_190 = tpu.sem_alloc : memref<!tpu.dma_semaphore, #tpu.memory_space<semaphore_mem>>
          %dma_start3A_191 = arith.constant 0 : i32
          %dma_start3A_192 = tpu.memref_slice %arg11[%add3A_128, %dma_start3A_191] : memref<157x128xi32, #tpu.memory_space<vmem>> -> memref<1x128xi32, #tpu.memory_space<vmem>>
          %dma_start3A_193 = tpu.memref_squeeze %dma_start3A_192 : memref<1x128xi32, #tpu.memory_space<vmem>> -> memref<128xi32, #tpu.memory_space<vmem>>
          %dma_start3A_194 = arith.constant 0 : i32
          %dma_start3A_195 = arith.constant 0 : i32
          %dma_start3A_196 = tpu.memref_slice %arg18[%dma_start3A_194, %dma_start3A_195] : memref<10112x8xf32, #tpu.memory_space<vmem_shared>> -> memref<10112x8xf32, #tpu.memory_space<vmem_shared>>
          tpu.enqueue_indirect_dma source(%arg16 : memref<128x8xf32, #tpu.memory_space<vmem>>) target(%dma_start3A_196 : memref<10112x8xf32, #tpu.memory_space<vmem_shared>>) offsets(%dma_start3A_193 : memref<128xi32, #tpu.memory_space<vmem>>) semaphore(%run_scoped3A_190 : memref<!tpu.dma_semaphore, #tpu.memory_space<semaphore_mem>>) {add = true}
          %dma_wait3A_197 = arith.constant 0 : i32
          %dma_wait3A_198 = tpu.memref_slice %arg11[%add3A_128, %dma_wait3A_197] : memref<157x128xi32, #tpu.memory_space<vmem>> -> memref<1x128xi32, #tpu.memory_space<vmem>>
          %dma_wait3A_199 = tpu.memref_squeeze %dma_wait3A_198 : memref<1x128xi32, #tpu.memory_space<vmem>> -> memref<128xi32, #tpu.memory_space<vmem>>
          %dma_wait3A_200 = arith.constant 0 : i32
          %dma_wait3A_201 = arith.constant 0 : i32
          %dma_wait3A_202 = tpu.memref_slice %arg18[%dma_wait3A_200, %dma_wait3A_201] : memref<10112x8xf32, #tpu.memory_space<vmem_shared>> -> memref<10112x8xf32, #tpu.memory_space<vmem_shared>>
          tpu.wait_indirect_dma semaphore(%run_scoped3A_190 : memref<!tpu.dma_semaphore, #tpu.memory_space<semaphore_mem>>) src(%arg16 : memref<128x8xf32, #tpu.memory_space<vmem>>) dst(%dma_wait3A_202 : memref<10112x8xf32, #tpu.memory_space<vmem_shared>>)
          tpu.yield
        }) : () -> ()
      } else {
      }
      %add3A_140 = arith.constant 4 : i32
      %add3A_141 = arith.addi %add3A_128, %add3A_140 : i32
      %dma_start3A_142 = arith.constant 0 : i32
      %dma_start3A_143 = tpu.memref_slice %arg10[%add3A_141, %dma_start3A_142] : memref<157x128xi32, #tpu.memory_space<vmem>> -> memref<1x128xi32, #tpu.memory_space<vmem>>
      %dma_start3A_144 = tpu.memref_squeeze %dma_start3A_143 : memref<1x128xi32, #tpu.memory_space<vmem>> -> memref<128xi32, #tpu.memory_space<vmem>>
      %dma_start3A_145 = arith.constant 0 : i32
      %dma_start3A_146 = arith.constant 0 : i32
      %dma_start3A_147 = tpu.memref_slice %arg2[%dma_start3A_145, %dma_start3A_146] : memref<20000x64xf32, #tpu.memory_space<hbm>> -> memref<20000x64xf32, #tpu.memory_space<hbm>>
      tpu.enqueue_indirect_dma source(%dma_start3A_147 : memref<20000x64xf32, #tpu.memory_space<hbm>>) target(%arg13 : memref<128x64xf32, #tpu.memory_space<vmem>>) offsets(%dma_start3A_144 : memref<128xi32, #tpu.memory_space<vmem>>) semaphore(%arg20 : memref<!tpu.dma_semaphore, #tpu.memory_space<semaphore_mem>>)
      %add3A_148 = arith.constant 2 : i32
      %add3A_149 = arith.addi %mul3A_105, %add3A_148 : i32
      %dma_wait3A_150 = arith.constant 0 : i32
      %dma_wait3A_151 = tpu.memref_slice %arg10[%add3A_149, %dma_wait3A_150] : memref<157x128xi32, #tpu.memory_space<vmem>> -> memref<1x128xi32, #tpu.memory_space<vmem>>
      %dma_wait3A_152 = tpu.memref_squeeze %dma_wait3A_151 : memref<1x128xi32, #tpu.memory_space<vmem>> -> memref<128xi32, #tpu.memory_space<vmem>>
      %dma_wait3A_153 = arith.constant 0 : i32
      %dma_wait3A_154 = arith.constant 0 : i32
      %dma_wait3A_155 = tpu.memref_slice %arg2[%dma_wait3A_153, %dma_wait3A_154] : memref<20000x64xf32, #tpu.memory_space<hbm>> -> memref<20000x64xf32, #tpu.memory_space<hbm>>
      tpu.wait_indirect_dma semaphore(%arg21 : memref<!tpu.dma_semaphore, #tpu.memory_space<semaphore_mem>>) src(%dma_wait3A_155 : memref<20000x64xf32, #tpu.memory_space<hbm>>) dst(%arg14 : memref<128x64xf32, #tpu.memory_space<vmem>>)
      "tpu.region"() ({
        %run_scoped3A_190 = tpu.sem_alloc : memref<!tpu.dma_semaphore, #tpu.memory_space<semaphore_mem>>
        %dma_start3A_191 = arith.constant 0 : i32
        %dma_start3A_192 = tpu.memref_slice %arg11[%add3A_149, %dma_start3A_191] : memref<157x128xi32, #tpu.memory_space<vmem>> -> memref<1x128xi32, #tpu.memory_space<vmem>>
        %dma_start3A_193 = tpu.memref_squeeze %dma_start3A_192 : memref<1x128xi32, #tpu.memory_space<vmem>> -> memref<128xi32, #tpu.memory_space<vmem>>
        %dma_start3A_194 = arith.constant 0 : i32
        %dma_start3A_195 = arith.constant 0 : i32
        %dma_start3A_196 = tpu.memref_slice %arg17[%dma_start3A_194, %dma_start3A_195] : memref<10112x64xf32, #tpu.memory_space<vmem_shared>> -> memref<10112x64xf32, #tpu.memory_space<vmem_shared>>
        tpu.enqueue_indirect_dma source(%arg14 : memref<128x64xf32, #tpu.memory_space<vmem>>) target(%dma_start3A_196 : memref<10112x64xf32, #tpu.memory_space<vmem_shared>>) offsets(%dma_start3A_193 : memref<128xi32, #tpu.memory_space<vmem>>) semaphore(%run_scoped3A_190 : memref<!tpu.dma_semaphore, #tpu.memory_space<semaphore_mem>>) {add = true}
        %dma_wait3A_197 = arith.constant 0 : i32
        %dma_wait3A_198 = tpu.memref_slice %arg11[%add3A_149, %dma_wait3A_197] : memref<157x128xi32, #tpu.memory_space<vmem>> -> memref<1x128xi32, #tpu.memory_space<vmem>>
        %dma_wait3A_199 = tpu.memref_squeeze %dma_wait3A_198 : memref<1x128xi32, #tpu.memory_space<vmem>> -> memref<128xi32, #tpu.memory_space<vmem>>
        %dma_wait3A_200 = arith.constant 0 : i32
        %dma_wait3A_201 = arith.constant 0 : i32
        %dma_wait3A_202 = tpu.memref_slice %arg17[%dma_wait3A_200, %dma_wait3A_201] : memref<10112x64xf32, #tpu.memory_space<vmem_shared>> -> memref<10112x64xf32, #tpu.memory_space<vmem_shared>>
        tpu.wait_indirect_dma semaphore(%run_scoped3A_190 : memref<!tpu.dma_semaphore, #tpu.memory_space<semaphore_mem>>) src(%arg14 : memref<128x64xf32, #tpu.memory_space<vmem>>) dst(%dma_wait3A_202 : memref<10112x64xf32, #tpu.memory_space<vmem_shared>>)
        tpu.yield
      }) : () -> ()
      %eq3A_156 = arith.constant 0 : i32
      %eq3A_157 = arith.cmpi eq, %arg0, %eq3A_156 : i32
      %convert_element_type3A_158 = arith.extui %eq3A_157 : i1 to i32
      %cond3A_159 = arith.constant 0 : i32
      %cond3A_160 = arith.cmpi ne, %convert_element_type3A_158, %cond3A_159 : i32
      scf.if %cond3A_160 {
        "tpu.region"() ({
          %run_scoped3A_190 = tpu.sem_alloc : memref<!tpu.dma_semaphore, #tpu.memory_space<semaphore_mem>>
          %dma_start3A_191 = arith.constant 0 : i32
          %dma_start3A_192 = tpu.memref_slice %arg11[%add3A_149, %dma_start3A_191] : memref<157x128xi32, #tpu.memory_space<vmem>> -> memref<1x128xi32, #tpu.memory_space<vmem>>
          %dma_start3A_193 = tpu.memref_squeeze %dma_start3A_192 : memref<1x128xi32, #tpu.memory_space<vmem>> -> memref<128xi32, #tpu.memory_space<vmem>>
          %dma_start3A_194 = arith.constant 0 : i32
          %dma_start3A_195 = arith.constant 0 : i32
          %dma_start3A_196 = tpu.memref_slice %arg18[%dma_start3A_194, %dma_start3A_195] : memref<10112x8xf32, #tpu.memory_space<vmem_shared>> -> memref<10112x8xf32, #tpu.memory_space<vmem_shared>>
          tpu.enqueue_indirect_dma source(%arg16 : memref<128x8xf32, #tpu.memory_space<vmem>>) target(%dma_start3A_196 : memref<10112x8xf32, #tpu.memory_space<vmem_shared>>) offsets(%dma_start3A_193 : memref<128xi32, #tpu.memory_space<vmem>>) semaphore(%run_scoped3A_190 : memref<!tpu.dma_semaphore, #tpu.memory_space<semaphore_mem>>) {add = true}
          %dma_wait3A_197 = arith.constant 0 : i32
          %dma_wait3A_198 = tpu.memref_slice %arg11[%add3A_149, %dma_wait3A_197] : memref<157x128xi32, #tpu.memory_space<vmem>> -> memref<1x128xi32, #tpu.memory_space<vmem>>
          %dma_wait3A_199 = tpu.memref_squeeze %dma_wait3A_198 : memref<1x128xi32, #tpu.memory_space<vmem>> -> memref<128xi32, #tpu.memory_space<vmem>>
          %dma_wait3A_200 = arith.constant 0 : i32
          %dma_wait3A_201 = arith.constant 0 : i32
          %dma_wait3A_202 = tpu.memref_slice %arg18[%dma_wait3A_200, %dma_wait3A_201] : memref<10112x8xf32, #tpu.memory_space<vmem_shared>> -> memref<10112x8xf32, #tpu.memory_space<vmem_shared>>
          tpu.wait_indirect_dma semaphore(%run_scoped3A_190 : memref<!tpu.dma_semaphore, #tpu.memory_space<semaphore_mem>>) src(%arg16 : memref<128x8xf32, #tpu.memory_space<vmem>>) dst(%dma_wait3A_202 : memref<10112x8xf32, #tpu.memory_space<vmem_shared>>)
          tpu.yield
        }) : () -> ()
      } else {
      }
      %add3A_161 = arith.constant 4 : i32
      %add3A_162 = arith.addi %add3A_149, %add3A_161 : i32
      %dma_start3A_163 = arith.constant 0 : i32
      %dma_start3A_164 = tpu.memref_slice %arg10[%add3A_162, %dma_start3A_163] : memref<157x128xi32, #tpu.memory_space<vmem>> -> memref<1x128xi32, #tpu.memory_space<vmem>>
      %dma_start3A_165 = tpu.memref_squeeze %dma_start3A_164 : memref<1x128xi32, #tpu.memory_space<vmem>> -> memref<128xi32, #tpu.memory_space<vmem>>
      %dma_start3A_166 = arith.constant 0 : i32
      %dma_start3A_167 = arith.constant 0 : i32
      %dma_start3A_168 = tpu.memref_slice %arg2[%dma_start3A_166, %dma_start3A_167] : memref<20000x64xf32, #tpu.memory_space<hbm>> -> memref<20000x64xf32, #tpu.memory_space<hbm>>
      tpu.enqueue_indirect_dma source(%dma_start3A_168 : memref<20000x64xf32, #tpu.memory_space<hbm>>) target(%arg14 : memref<128x64xf32, #tpu.memory_space<vmem>>) offsets(%dma_start3A_165 : memref<128xi32, #tpu.memory_space<vmem>>) semaphore(%arg21 : memref<!tpu.dma_semaphore, #tpu.memory_space<semaphore_mem>>)
      %add3A_169 = arith.constant 3 : i32
      %add3A_170 = arith.addi %mul3A_105, %add3A_169 : i32
      %dma_wait3A_171 = arith.constant 0 : i32
      %dma_wait3A_172 = tpu.memref_slice %arg10[%add3A_170, %dma_wait3A_171] : memref<157x128xi32, #tpu.memory_space<vmem>> -> memref<1x128xi32, #tpu.memory_space<vmem>>
      %dma_wait3A_173 = tpu.memref_squeeze %dma_wait3A_172 : memref<1x128xi32, #tpu.memory_space<vmem>> -> memref<128xi32, #tpu.memory_space<vmem>>
      %dma_wait3A_174 = arith.constant 0 : i32
      %dma_wait3A_175 = arith.constant 0 : i32
      %dma_wait3A_176 = tpu.memref_slice %arg2[%dma_wait3A_174, %dma_wait3A_175] : memref<20000x64xf32, #tpu.memory_space<hbm>> -> memref<20000x64xf32, #tpu.memory_space<hbm>>
      tpu.wait_indirect_dma semaphore(%arg22 : memref<!tpu.dma_semaphore, #tpu.memory_space<semaphore_mem>>) src(%dma_wait3A_176 : memref<20000x64xf32, #tpu.memory_space<hbm>>) dst(%arg15 : memref<128x64xf32, #tpu.memory_space<vmem>>)
      "tpu.region"() ({
        %run_scoped3A_190 = tpu.sem_alloc : memref<!tpu.dma_semaphore, #tpu.memory_space<semaphore_mem>>
        %dma_start3A_191 = arith.constant 0 : i32
        %dma_start3A_192 = tpu.memref_slice %arg11[%add3A_170, %dma_start3A_191] : memref<157x128xi32, #tpu.memory_space<vmem>> -> memref<1x128xi32, #tpu.memory_space<vmem>>
        %dma_start3A_193 = tpu.memref_squeeze %dma_start3A_192 : memref<1x128xi32, #tpu.memory_space<vmem>> -> memref<128xi32, #tpu.memory_space<vmem>>
        %dma_start3A_194 = arith.constant 0 : i32
        %dma_start3A_195 = arith.constant 0 : i32
        %dma_start3A_196 = tpu.memref_slice %arg17[%dma_start3A_194, %dma_start3A_195] : memref<10112x64xf32, #tpu.memory_space<vmem_shared>> -> memref<10112x64xf32, #tpu.memory_space<vmem_shared>>
        tpu.enqueue_indirect_dma source(%arg15 : memref<128x64xf32, #tpu.memory_space<vmem>>) target(%dma_start3A_196 : memref<10112x64xf32, #tpu.memory_space<vmem_shared>>) offsets(%dma_start3A_193 : memref<128xi32, #tpu.memory_space<vmem>>) semaphore(%run_scoped3A_190 : memref<!tpu.dma_semaphore, #tpu.memory_space<semaphore_mem>>) {add = true}
        %dma_wait3A_197 = arith.constant 0 : i32
        %dma_wait3A_198 = tpu.memref_slice %arg11[%add3A_170, %dma_wait3A_197] : memref<157x128xi32, #tpu.memory_space<vmem>> -> memref<1x128xi32, #tpu.memory_space<vmem>>
        %dma_wait3A_199 = tpu.memref_squeeze %dma_wait3A_198 : memref<1x128xi32, #tpu.memory_space<vmem>> -> memref<128xi32, #tpu.memory_space<vmem>>
        %dma_wait3A_200 = arith.constant 0 : i32
        %dma_wait3A_201 = arith.constant 0 : i32
        %dma_wait3A_202 = tpu.memref_slice %arg17[%dma_wait3A_200, %dma_wait3A_201] : memref<10112x64xf32, #tpu.memory_space<vmem_shared>> -> memref<10112x64xf32, #tpu.memory_space<vmem_shared>>
        tpu.wait_indirect_dma semaphore(%run_scoped3A_190 : memref<!tpu.dma_semaphore, #tpu.memory_space<semaphore_mem>>) src(%arg15 : memref<128x64xf32, #tpu.memory_space<vmem>>) dst(%dma_wait3A_202 : memref<10112x64xf32, #tpu.memory_space<vmem_shared>>)
        tpu.yield
      }) : () -> ()
      %eq3A_177 = arith.constant 1 : i32
      %eq3A_178 = arith.cmpi eq, %arg0, %eq3A_177 : i32
      %convert_element_type3A_179 = arith.extui %eq3A_178 : i1 to i32
      %cond3A_180 = arith.constant 0 : i32
      %cond3A_181 = arith.cmpi ne, %convert_element_type3A_179, %cond3A_180 : i32
      scf.if %cond3A_181 {
        "tpu.region"() ({
          %run_scoped3A_190 = tpu.sem_alloc : memref<!tpu.dma_semaphore, #tpu.memory_space<semaphore_mem>>
          %dma_start3A_191 = arith.constant 0 : i32
          %dma_start3A_192 = tpu.memref_slice %arg11[%add3A_170, %dma_start3A_191] : memref<157x128xi32, #tpu.memory_space<vmem>> -> memref<1x128xi32, #tpu.memory_space<vmem>>
          %dma_start3A_193 = tpu.memref_squeeze %dma_start3A_192 : memref<1x128xi32, #tpu.memory_space<vmem>> -> memref<128xi32, #tpu.memory_space<vmem>>
          %dma_start3A_194 = arith.constant 0 : i32
          %dma_start3A_195 = arith.constant 0 : i32
          %dma_start3A_196 = tpu.memref_slice %arg18[%dma_start3A_194, %dma_start3A_195] : memref<10112x8xf32, #tpu.memory_space<vmem_shared>> -> memref<10112x8xf32, #tpu.memory_space<vmem_shared>>
          tpu.enqueue_indirect_dma source(%arg16 : memref<128x8xf32, #tpu.memory_space<vmem>>) target(%dma_start3A_196 : memref<10112x8xf32, #tpu.memory_space<vmem_shared>>) offsets(%dma_start3A_193 : memref<128xi32, #tpu.memory_space<vmem>>) semaphore(%run_scoped3A_190 : memref<!tpu.dma_semaphore, #tpu.memory_space<semaphore_mem>>) {add = true}
          %dma_wait3A_197 = arith.constant 0 : i32
          %dma_wait3A_198 = tpu.memref_slice %arg11[%add3A_170, %dma_wait3A_197] : memref<157x128xi32, #tpu.memory_space<vmem>> -> memref<1x128xi32, #tpu.memory_space<vmem>>
          %dma_wait3A_199 = tpu.memref_squeeze %dma_wait3A_198 : memref<1x128xi32, #tpu.memory_space<vmem>> -> memref<128xi32, #tpu.memory_space<vmem>>
          %dma_wait3A_200 = arith.constant 0 : i32
          %dma_wait3A_201 = arith.constant 0 : i32
          %dma_wait3A_202 = tpu.memref_slice %arg18[%dma_wait3A_200, %dma_wait3A_201] : memref<10112x8xf32, #tpu.memory_space<vmem_shared>> -> memref<10112x8xf32, #tpu.memory_space<vmem_shared>>
          tpu.wait_indirect_dma semaphore(%run_scoped3A_190 : memref<!tpu.dma_semaphore, #tpu.memory_space<semaphore_mem>>) src(%arg16 : memref<128x8xf32, #tpu.memory_space<vmem>>) dst(%dma_wait3A_202 : memref<10112x8xf32, #tpu.memory_space<vmem_shared>>)
          tpu.yield
        }) : () -> ()
      } else {
      }
      %add3A_182 = arith.constant 4 : i32
      %add3A_183 = arith.addi %add3A_170, %add3A_182 : i32
      %dma_start3A_184 = arith.constant 0 : i32
      %dma_start3A_185 = tpu.memref_slice %arg10[%add3A_183, %dma_start3A_184] : memref<157x128xi32, #tpu.memory_space<vmem>> -> memref<1x128xi32, #tpu.memory_space<vmem>>
      %dma_start3A_186 = tpu.memref_squeeze %dma_start3A_185 : memref<1x128xi32, #tpu.memory_space<vmem>> -> memref<128xi32, #tpu.memory_space<vmem>>
      %dma_start3A_187 = arith.constant 0 : i32
      %dma_start3A_188 = arith.constant 0 : i32
      %dma_start3A_189 = tpu.memref_slice %arg2[%dma_start3A_187, %dma_start3A_188] : memref<20000x64xf32, #tpu.memory_space<hbm>> -> memref<20000x64xf32, #tpu.memory_space<hbm>>
      tpu.enqueue_indirect_dma source(%dma_start3A_189 : memref<20000x64xf32, #tpu.memory_space<hbm>>) target(%arg15 : memref<128x64xf32, #tpu.memory_space<vmem>>) offsets(%dma_start3A_186 : memref<128xi32, #tpu.memory_space<vmem>>) semaphore(%arg22 : memref<!tpu.dma_semaphore, #tpu.memory_space<semaphore_mem>>)
    }
    %scan3A_34 = arith.constant 38 : i32
    %dma_wait3A = arith.constant 152 : i32
    %dma_wait3A_35 = arith.constant 0 : i32
    %dma_wait3A_36 = tpu.memref_slice %arg10[%dma_wait3A, %dma_wait3A_35] : memref<157x128xi32, #tpu.memory_space<vmem>> -> memref<1x128xi32, #tpu.memory_space<vmem>>
    %dma_wait3A_37 = tpu.memref_squeeze %dma_wait3A_36 : memref<1x128xi32, #tpu.memory_space<vmem>> -> memref<128xi32, #tpu.memory_space<vmem>>
    %dma_wait3A_38 = arith.constant 0 : i32
    %dma_wait3A_39 = arith.constant 0 : i32
    %dma_wait3A_40 = tpu.memref_slice %arg2[%dma_wait3A_38, %dma_wait3A_39] : memref<20000x64xf32, #tpu.memory_space<hbm>> -> memref<20000x64xf32, #tpu.memory_space<hbm>>
    tpu.wait_indirect_dma semaphore(%arg19 : memref<!tpu.dma_semaphore, #tpu.memory_space<semaphore_mem>>) src(%dma_wait3A_40 : memref<20000x64xf32, #tpu.memory_space<hbm>>) dst(%arg12 : memref<128x64xf32, #tpu.memory_space<vmem>>)
    %run_scoped3A = arith.constant 152 : i32
    "tpu.region"() ({
      %run_scoped3A_103 = tpu.sem_alloc : memref<!tpu.dma_semaphore, #tpu.memory_space<semaphore_mem>>
      %dma_start3A_104 = arith.constant 0 : i32
      %dma_start3A_105 = tpu.memref_slice %arg11[%run_scoped3A, %dma_start3A_104] : memref<157x128xi32, #tpu.memory_space<vmem>> -> memref<1x128xi32, #tpu.memory_space<vmem>>
      %dma_start3A_106 = tpu.memref_squeeze %dma_start3A_105 : memref<1x128xi32, #tpu.memory_space<vmem>> -> memref<128xi32, #tpu.memory_space<vmem>>
      %dma_start3A_107 = arith.constant 0 : i32
      %dma_start3A_108 = arith.constant 0 : i32
      %dma_start3A_109 = tpu.memref_slice %arg17[%dma_start3A_107, %dma_start3A_108] : memref<10112x64xf32, #tpu.memory_space<vmem_shared>> -> memref<10112x64xf32, #tpu.memory_space<vmem_shared>>
      tpu.enqueue_indirect_dma source(%arg12 : memref<128x64xf32, #tpu.memory_space<vmem>>) target(%dma_start3A_109 : memref<10112x64xf32, #tpu.memory_space<vmem_shared>>) offsets(%dma_start3A_106 : memref<128xi32, #tpu.memory_space<vmem>>) semaphore(%run_scoped3A_103 : memref<!tpu.dma_semaphore, #tpu.memory_space<semaphore_mem>>) {add = true}
      %dma_wait3A_110 = arith.constant 0 : i32
      %dma_wait3A_111 = tpu.memref_slice %arg11[%run_scoped3A, %dma_wait3A_110] : memref<157x128xi32, #tpu.memory_space<vmem>> -> memref<1x128xi32, #tpu.memory_space<vmem>>
      %dma_wait3A_112 = tpu.memref_squeeze %dma_wait3A_111 : memref<1x128xi32, #tpu.memory_space<vmem>> -> memref<128xi32, #tpu.memory_space<vmem>>
      %dma_wait3A_113 = arith.constant 0 : i32
      %dma_wait3A_114 = arith.constant 0 : i32
      %dma_wait3A_115 = tpu.memref_slice %arg17[%dma_wait3A_113, %dma_wait3A_114] : memref<10112x64xf32, #tpu.memory_space<vmem_shared>> -> memref<10112x64xf32, #tpu.memory_space<vmem_shared>>
      tpu.wait_indirect_dma semaphore(%run_scoped3A_103 : memref<!tpu.dma_semaphore, #tpu.memory_space<semaphore_mem>>) src(%arg12 : memref<128x64xf32, #tpu.memory_space<vmem>>) dst(%dma_wait3A_115 : memref<10112x64xf32, #tpu.memory_space<vmem_shared>>)
      tpu.yield
    }) : () -> ()
    %eq3A = arith.constant 0 : i32
    %eq3A_41 = arith.cmpi eq, %arg0, %eq3A : i32
    %convert_element_type3A = arith.extui %eq3A_41 : i1 to i32
    %cond3A = arith.constant 0 : i32
    %cond3A_42 = arith.cmpi ne, %convert_element_type3A, %cond3A : i32
    scf.if %cond3A_42 {
      %run_scoped3A_103 = arith.constant 152 : i32
      "tpu.region"() ({
        %run_scoped3A_104 = tpu.sem_alloc : memref<!tpu.dma_semaphore, #tpu.memory_space<semaphore_mem>>
        %dma_start3A_105 = arith.constant 0 : i32
        %dma_start3A_106 = tpu.memref_slice %arg11[%run_scoped3A_103, %dma_start3A_105] : memref<157x128xi32, #tpu.memory_space<vmem>> -> memref<1x128xi32, #tpu.memory_space<vmem>>
        %dma_start3A_107 = tpu.memref_squeeze %dma_start3A_106 : memref<1x128xi32, #tpu.memory_space<vmem>> -> memref<128xi32, #tpu.memory_space<vmem>>
        %dma_start3A_108 = arith.constant 0 : i32
        %dma_start3A_109 = arith.constant 0 : i32
        %dma_start3A_110 = tpu.memref_slice %arg18[%dma_start3A_108, %dma_start3A_109] : memref<10112x8xf32, #tpu.memory_space<vmem_shared>> -> memref<10112x8xf32, #tpu.memory_space<vmem_shared>>
        tpu.enqueue_indirect_dma source(%arg16 : memref<128x8xf32, #tpu.memory_space<vmem>>) target(%dma_start3A_110 : memref<10112x8xf32, #tpu.memory_space<vmem_shared>>) offsets(%dma_start3A_107 : memref<128xi32, #tpu.memory_space<vmem>>) semaphore(%run_scoped3A_104 : memref<!tpu.dma_semaphore, #tpu.memory_space<semaphore_mem>>) {add = true}
        %dma_wait3A_111 = arith.constant 0 : i32
        %dma_wait3A_112 = tpu.memref_slice %arg11[%run_scoped3A_103, %dma_wait3A_111] : memref<157x128xi32, #tpu.memory_space<vmem>> -> memref<1x128xi32, #tpu.memory_space<vmem>>
        %dma_wait3A_113 = tpu.memref_squeeze %dma_wait3A_112 : memref<1x128xi32, #tpu.memory_space<vmem>> -> memref<128xi32, #tpu.memory_space<vmem>>
        %dma_wait3A_114 = arith.constant 0 : i32
        %dma_wait3A_115 = arith.constant 0 : i32
        %dma_wait3A_116 = tpu.memref_slice %arg18[%dma_wait3A_114, %dma_wait3A_115] : memref<10112x8xf32, #tpu.memory_space<vmem_shared>> -> memref<10112x8xf32, #tpu.memory_space<vmem_shared>>
        tpu.wait_indirect_dma semaphore(%run_scoped3A_104 : memref<!tpu.dma_semaphore, #tpu.memory_space<semaphore_mem>>) src(%arg16 : memref<128x8xf32, #tpu.memory_space<vmem>>) dst(%dma_wait3A_116 : memref<10112x8xf32, #tpu.memory_space<vmem_shared>>)
        tpu.yield
      }) : () -> ()
    } else {
    }
    %dma_wait3A_43 = arith.constant 153 : i32
    %dma_wait3A_44 = arith.constant 0 : i32
    %dma_wait3A_45 = tpu.memref_slice %arg10[%dma_wait3A_43, %dma_wait3A_44] : memref<157x128xi32, #tpu.memory_space<vmem>> -> memref<1x128xi32, #tpu.memory_space<vmem>>
    %dma_wait3A_46 = tpu.memref_squeeze %dma_wait3A_45 : memref<1x128xi32, #tpu.memory_space<vmem>> -> memref<128xi32, #tpu.memory_space<vmem>>
    %dma_wait3A_47 = arith.constant 0 : i32
    %dma_wait3A_48 = arith.constant 0 : i32
    %dma_wait3A_49 = tpu.memref_slice %arg2[%dma_wait3A_47, %dma_wait3A_48] : memref<20000x64xf32, #tpu.memory_space<hbm>> -> memref<20000x64xf32, #tpu.memory_space<hbm>>
    tpu.wait_indirect_dma semaphore(%arg20 : memref<!tpu.dma_semaphore, #tpu.memory_space<semaphore_mem>>) src(%dma_wait3A_49 : memref<20000x64xf32, #tpu.memory_space<hbm>>) dst(%arg13 : memref<128x64xf32, #tpu.memory_space<vmem>>)
    %run_scoped3A_50 = arith.constant 153 : i32
    "tpu.region"() ({
      %run_scoped3A_103 = tpu.sem_alloc : memref<!tpu.dma_semaphore, #tpu.memory_space<semaphore_mem>>
      %dma_start3A_104 = arith.constant 0 : i32
      %dma_start3A_105 = tpu.memref_slice %arg11[%run_scoped3A_50, %dma_start3A_104] : memref<157x128xi32, #tpu.memory_space<vmem>> -> memref<1x128xi32, #tpu.memory_space<vmem>>
      %dma_start3A_106 = tpu.memref_squeeze %dma_start3A_105 : memref<1x128xi32, #tpu.memory_space<vmem>> -> memref<128xi32, #tpu.memory_space<vmem>>
      %dma_start3A_107 = arith.constant 0 : i32
      %dma_start3A_108 = arith.constant 0 : i32
      %dma_start3A_109 = tpu.memref_slice %arg17[%dma_start3A_107, %dma_start3A_108] : memref<10112x64xf32, #tpu.memory_space<vmem_shared>> -> memref<10112x64xf32, #tpu.memory_space<vmem_shared>>
      tpu.enqueue_indirect_dma source(%arg13 : memref<128x64xf32, #tpu.memory_space<vmem>>) target(%dma_start3A_109 : memref<10112x64xf32, #tpu.memory_space<vmem_shared>>) offsets(%dma_start3A_106 : memref<128xi32, #tpu.memory_space<vmem>>) semaphore(%run_scoped3A_103 : memref<!tpu.dma_semaphore, #tpu.memory_space<semaphore_mem>>) {add = true}
      %dma_wait3A_110 = arith.constant 0 : i32
      %dma_wait3A_111 = tpu.memref_slice %arg11[%run_scoped3A_50, %dma_wait3A_110] : memref<157x128xi32, #tpu.memory_space<vmem>> -> memref<1x128xi32, #tpu.memory_space<vmem>>
      %dma_wait3A_112 = tpu.memref_squeeze %dma_wait3A_111 : memref<1x128xi32, #tpu.memory_space<vmem>> -> memref<128xi32, #tpu.memory_space<vmem>>
      %dma_wait3A_113 = arith.constant 0 : i32
      %dma_wait3A_114 = arith.constant 0 : i32
      %dma_wait3A_115 = tpu.memref_slice %arg17[%dma_wait3A_113, %dma_wait3A_114] : memref<10112x64xf32, #tpu.memory_space<vmem_shared>> -> memref<10112x64xf32, #tpu.memory_space<vmem_shared>>
      tpu.wait_indirect_dma semaphore(%run_scoped3A_103 : memref<!tpu.dma_semaphore, #tpu.memory_space<semaphore_mem>>) src(%arg13 : memref<128x64xf32, #tpu.memory_space<vmem>>) dst(%dma_wait3A_115 : memref<10112x64xf32, #tpu.memory_space<vmem_shared>>)
      tpu.yield
    }) : () -> ()
    %eq3A_51 = arith.constant 1 : i32
    %eq3A_52 = arith.cmpi eq, %arg0, %eq3A_51 : i32
    %convert_element_type3A_53 = arith.extui %eq3A_52 : i1 to i32
    %cond3A_54 = arith.constant 0 : i32
    %cond3A_55 = arith.cmpi ne, %convert_element_type3A_53, %cond3A_54 : i32
    scf.if %cond3A_55 {
      %run_scoped3A_103 = arith.constant 153 : i32
      "tpu.region"() ({
        %run_scoped3A_104 = tpu.sem_alloc : memref<!tpu.dma_semaphore, #tpu.memory_space<semaphore_mem>>
        %dma_start3A_105 = arith.constant 0 : i32
        %dma_start3A_106 = tpu.memref_slice %arg11[%run_scoped3A_103, %dma_start3A_105] : memref<157x128xi32, #tpu.memory_space<vmem>> -> memref<1x128xi32, #tpu.memory_space<vmem>>
        %dma_start3A_107 = tpu.memref_squeeze %dma_start3A_106 : memref<1x128xi32, #tpu.memory_space<vmem>> -> memref<128xi32, #tpu.memory_space<vmem>>
        %dma_start3A_108 = arith.constant 0 : i32
        %dma_start3A_109 = arith.constant 0 : i32
        %dma_start3A_110 = tpu.memref_slice %arg18[%dma_start3A_108, %dma_start3A_109] : memref<10112x8xf32, #tpu.memory_space<vmem_shared>> -> memref<10112x8xf32, #tpu.memory_space<vmem_shared>>
        tpu.enqueue_indirect_dma source(%arg16 : memref<128x8xf32, #tpu.memory_space<vmem>>) target(%dma_start3A_110 : memref<10112x8xf32, #tpu.memory_space<vmem_shared>>) offsets(%dma_start3A_107 : memref<128xi32, #tpu.memory_space<vmem>>) semaphore(%run_scoped3A_104 : memref<!tpu.dma_semaphore, #tpu.memory_space<semaphore_mem>>) {add = true}
        %dma_wait3A_111 = arith.constant 0 : i32
        %dma_wait3A_112 = tpu.memref_slice %arg11[%run_scoped3A_103, %dma_wait3A_111] : memref<157x128xi32, #tpu.memory_space<vmem>> -> memref<1x128xi32, #tpu.memory_space<vmem>>
        %dma_wait3A_113 = tpu.memref_squeeze %dma_wait3A_112 : memref<1x128xi32, #tpu.memory_space<vmem>> -> memref<128xi32, #tpu.memory_space<vmem>>
        %dma_wait3A_114 = arith.constant 0 : i32
        %dma_wait3A_115 = arith.constant 0 : i32
        %dma_wait3A_116 = tpu.memref_slice %arg18[%dma_wait3A_114, %dma_wait3A_115] : memref<10112x8xf32, #tpu.memory_space<vmem_shared>> -> memref<10112x8xf32, #tpu.memory_space<vmem_shared>>
        tpu.wait_indirect_dma semaphore(%run_scoped3A_104 : memref<!tpu.dma_semaphore, #tpu.memory_space<semaphore_mem>>) src(%arg16 : memref<128x8xf32, #tpu.memory_space<vmem>>) dst(%dma_wait3A_116 : memref<10112x8xf32, #tpu.memory_space<vmem_shared>>)
        tpu.yield
      }) : () -> ()
    } else {
    }
    %dma_wait3A_56 = arith.constant 154 : i32
    %dma_wait3A_57 = arith.constant 0 : i32
    %dma_wait3A_58 = tpu.memref_slice %arg10[%dma_wait3A_56, %dma_wait3A_57] : memref<157x128xi32, #tpu.memory_space<vmem>> -> memref<1x128xi32, #tpu.memory_space<vmem>>
    %dma_wait3A_59 = tpu.memref_squeeze %dma_wait3A_58 : memref<1x128xi32, #tpu.memory_space<vmem>> -> memref<128xi32, #tpu.memory_space<vmem>>
    %dma_wait3A_60 = arith.constant 0 : i32
    %dma_wait3A_61 = arith.constant 0 : i32
    %dma_wait3A_62 = tpu.memref_slice %arg2[%dma_wait3A_60, %dma_wait3A_61] : memref<20000x64xf32, #tpu.memory_space<hbm>> -> memref<20000x64xf32, #tpu.memory_space<hbm>>
    tpu.wait_indirect_dma semaphore(%arg21 : memref<!tpu.dma_semaphore, #tpu.memory_space<semaphore_mem>>) src(%dma_wait3A_62 : memref<20000x64xf32, #tpu.memory_space<hbm>>) dst(%arg14 : memref<128x64xf32, #tpu.memory_space<vmem>>)
    %run_scoped3A_63 = arith.constant 154 : i32
    "tpu.region"() ({
      %run_scoped3A_103 = tpu.sem_alloc : memref<!tpu.dma_semaphore, #tpu.memory_space<semaphore_mem>>
      %dma_start3A_104 = arith.constant 0 : i32
      %dma_start3A_105 = tpu.memref_slice %arg11[%run_scoped3A_63, %dma_start3A_104] : memref<157x128xi32, #tpu.memory_space<vmem>> -> memref<1x128xi32, #tpu.memory_space<vmem>>
      %dma_start3A_106 = tpu.memref_squeeze %dma_start3A_105 : memref<1x128xi32, #tpu.memory_space<vmem>> -> memref<128xi32, #tpu.memory_space<vmem>>
      %dma_start3A_107 = arith.constant 0 : i32
      %dma_start3A_108 = arith.constant 0 : i32
      %dma_start3A_109 = tpu.memref_slice %arg17[%dma_start3A_107, %dma_start3A_108] : memref<10112x64xf32, #tpu.memory_space<vmem_shared>> -> memref<10112x64xf32, #tpu.memory_space<vmem_shared>>
      tpu.enqueue_indirect_dma source(%arg14 : memref<128x64xf32, #tpu.memory_space<vmem>>) target(%dma_start3A_109 : memref<10112x64xf32, #tpu.memory_space<vmem_shared>>) offsets(%dma_start3A_106 : memref<128xi32, #tpu.memory_space<vmem>>) semaphore(%run_scoped3A_103 : memref<!tpu.dma_semaphore, #tpu.memory_space<semaphore_mem>>) {add = true}
      %dma_wait3A_110 = arith.constant 0 : i32
      %dma_wait3A_111 = tpu.memref_slice %arg11[%run_scoped3A_63, %dma_wait3A_110] : memref<157x128xi32, #tpu.memory_space<vmem>> -> memref<1x128xi32, #tpu.memory_space<vmem>>
      %dma_wait3A_112 = tpu.memref_squeeze %dma_wait3A_111 : memref<1x128xi32, #tpu.memory_space<vmem>> -> memref<128xi32, #tpu.memory_space<vmem>>
      %dma_wait3A_113 = arith.constant 0 : i32
      %dma_wait3A_114 = arith.constant 0 : i32
      %dma_wait3A_115 = tpu.memref_slice %arg17[%dma_wait3A_113, %dma_wait3A_114] : memref<10112x64xf32, #tpu.memory_space<vmem_shared>> -> memref<10112x64xf32, #tpu.memory_space<vmem_shared>>
      tpu.wait_indirect_dma semaphore(%run_scoped3A_103 : memref<!tpu.dma_semaphore, #tpu.memory_space<semaphore_mem>>) src(%arg14 : memref<128x64xf32, #tpu.memory_space<vmem>>) dst(%dma_wait3A_115 : memref<10112x64xf32, #tpu.memory_space<vmem_shared>>)
      tpu.yield
    }) : () -> ()
    %eq3A_64 = arith.constant 0 : i32
    %eq3A_65 = arith.cmpi eq, %arg0, %eq3A_64 : i32
    %convert_element_type3A_66 = arith.extui %eq3A_65 : i1 to i32
    %cond3A_67 = arith.constant 0 : i32
    %cond3A_68 = arith.cmpi ne, %convert_element_type3A_66, %cond3A_67 : i32
    scf.if %cond3A_68 {
      %run_scoped3A_103 = arith.constant 154 : i32
      "tpu.region"() ({
        %run_scoped3A_104 = tpu.sem_alloc : memref<!tpu.dma_semaphore, #tpu.memory_space<semaphore_mem>>
        %dma_start3A_105 = arith.constant 0 : i32
        %dma_start3A_106 = tpu.memref_slice %arg11[%run_scoped3A_103, %dma_start3A_105] : memref<157x128xi32, #tpu.memory_space<vmem>> -> memref<1x128xi32, #tpu.memory_space<vmem>>
        %dma_start3A_107 = tpu.memref_squeeze %dma_start3A_106 : memref<1x128xi32, #tpu.memory_space<vmem>> -> memref<128xi32, #tpu.memory_space<vmem>>
        %dma_start3A_108 = arith.constant 0 : i32
        %dma_start3A_109 = arith.constant 0 : i32
        %dma_start3A_110 = tpu.memref_slice %arg18[%dma_start3A_108, %dma_start3A_109] : memref<10112x8xf32, #tpu.memory_space<vmem_shared>> -> memref<10112x8xf32, #tpu.memory_space<vmem_shared>>
        tpu.enqueue_indirect_dma source(%arg16 : memref<128x8xf32, #tpu.memory_space<vmem>>) target(%dma_start3A_110 : memref<10112x8xf32, #tpu.memory_space<vmem_shared>>) offsets(%dma_start3A_107 : memref<128xi32, #tpu.memory_space<vmem>>) semaphore(%run_scoped3A_104 : memref<!tpu.dma_semaphore, #tpu.memory_space<semaphore_mem>>) {add = true}
        %dma_wait3A_111 = arith.constant 0 : i32
        %dma_wait3A_112 = tpu.memref_slice %arg11[%run_scoped3A_103, %dma_wait3A_111] : memref<157x128xi32, #tpu.memory_space<vmem>> -> memref<1x128xi32, #tpu.memory_space<vmem>>
        %dma_wait3A_113 = tpu.memref_squeeze %dma_wait3A_112 : memref<1x128xi32, #tpu.memory_space<vmem>> -> memref<128xi32, #tpu.memory_space<vmem>>
        %dma_wait3A_114 = arith.constant 0 : i32
        %dma_wait3A_115 = arith.constant 0 : i32
        %dma_wait3A_116 = tpu.memref_slice %arg18[%dma_wait3A_114, %dma_wait3A_115] : memref<10112x8xf32, #tpu.memory_space<vmem_shared>> -> memref<10112x8xf32, #tpu.memory_space<vmem_shared>>
        tpu.wait_indirect_dma semaphore(%run_scoped3A_104 : memref<!tpu.dma_semaphore, #tpu.memory_space<semaphore_mem>>) src(%arg16 : memref<128x8xf32, #tpu.memory_space<vmem>>) dst(%dma_wait3A_116 : memref<10112x8xf32, #tpu.memory_space<vmem_shared>>)
        tpu.yield
      }) : () -> ()
    } else {
    }
    %dma_wait3A_69 = arith.constant 155 : i32
    %dma_wait3A_70 = arith.constant 0 : i32
    %dma_wait3A_71 = tpu.memref_slice %arg10[%dma_wait3A_69, %dma_wait3A_70] : memref<157x128xi32, #tpu.memory_space<vmem>> -> memref<1x128xi32, #tpu.memory_space<vmem>>
    %dma_wait3A_72 = tpu.memref_squeeze %dma_wait3A_71 : memref<1x128xi32, #tpu.memory_space<vmem>> -> memref<128xi32, #tpu.memory_space<vmem>>
    %dma_wait3A_73 = arith.constant 0 : i32
    %dma_wait3A_74 = arith.constant 0 : i32
    %dma_wait3A_75 = tpu.memref_slice %arg2[%dma_wait3A_73, %dma_wait3A_74] : memref<20000x64xf32, #tpu.memory_space<hbm>> -> memref<20000x64xf32, #tpu.memory_space<hbm>>
    tpu.wait_indirect_dma semaphore(%arg22 : memref<!tpu.dma_semaphore, #tpu.memory_space<semaphore_mem>>) src(%dma_wait3A_75 : memref<20000x64xf32, #tpu.memory_space<hbm>>) dst(%arg15 : memref<128x64xf32, #tpu.memory_space<vmem>>)
    %run_scoped3A_76 = arith.constant 155 : i32
    "tpu.region"() ({
      %run_scoped3A_103 = tpu.sem_alloc : memref<!tpu.dma_semaphore, #tpu.memory_space<semaphore_mem>>
      %dma_start3A_104 = arith.constant 0 : i32
      %dma_start3A_105 = tpu.memref_slice %arg11[%run_scoped3A_76, %dma_start3A_104] : memref<157x128xi32, #tpu.memory_space<vmem>> -> memref<1x128xi32, #tpu.memory_space<vmem>>
      %dma_start3A_106 = tpu.memref_squeeze %dma_start3A_105 : memref<1x128xi32, #tpu.memory_space<vmem>> -> memref<128xi32, #tpu.memory_space<vmem>>
      %dma_start3A_107 = arith.constant 0 : i32
      %dma_start3A_108 = arith.constant 0 : i32
      %dma_start3A_109 = tpu.memref_slice %arg17[%dma_start3A_107, %dma_start3A_108] : memref<10112x64xf32, #tpu.memory_space<vmem_shared>> -> memref<10112x64xf32, #tpu.memory_space<vmem_shared>>
      tpu.enqueue_indirect_dma source(%arg15 : memref<128x64xf32, #tpu.memory_space<vmem>>) target(%dma_start3A_109 : memref<10112x64xf32, #tpu.memory_space<vmem_shared>>) offsets(%dma_start3A_106 : memref<128xi32, #tpu.memory_space<vmem>>) semaphore(%run_scoped3A_103 : memref<!tpu.dma_semaphore, #tpu.memory_space<semaphore_mem>>) {add = true}
      %dma_wait3A_110 = arith.constant 0 : i32
      %dma_wait3A_111 = tpu.memref_slice %arg11[%run_scoped3A_76, %dma_wait3A_110] : memref<157x128xi32, #tpu.memory_space<vmem>> -> memref<1x128xi32, #tpu.memory_space<vmem>>
      %dma_wait3A_112 = tpu.memref_squeeze %dma_wait3A_111 : memref<1x128xi32, #tpu.memory_space<vmem>> -> memref<128xi32, #tpu.memory_space<vmem>>
      %dma_wait3A_113 = arith.constant 0 : i32
      %dma_wait3A_114 = arith.constant 0 : i32
      %dma_wait3A_115 = tpu.memref_slice %arg17[%dma_wait3A_113, %dma_wait3A_114] : memref<10112x64xf32, #tpu.memory_space<vmem_shared>> -> memref<10112x64xf32, #tpu.memory_space<vmem_shared>>
      tpu.wait_indirect_dma semaphore(%run_scoped3A_103 : memref<!tpu.dma_semaphore, #tpu.memory_space<semaphore_mem>>) src(%arg15 : memref<128x64xf32, #tpu.memory_space<vmem>>) dst(%dma_wait3A_115 : memref<10112x64xf32, #tpu.memory_space<vmem_shared>>)
      tpu.yield
    }) : () -> ()
    %eq3A_77 = arith.constant 1 : i32
    %eq3A_78 = arith.cmpi eq, %arg0, %eq3A_77 : i32
    %convert_element_type3A_79 = arith.extui %eq3A_78 : i1 to i32
    %cond3A_80 = arith.constant 0 : i32
    %cond3A_81 = arith.cmpi ne, %convert_element_type3A_79, %cond3A_80 : i32
    scf.if %cond3A_81 {
      %run_scoped3A_103 = arith.constant 155 : i32
      "tpu.region"() ({
        %run_scoped3A_104 = tpu.sem_alloc : memref<!tpu.dma_semaphore, #tpu.memory_space<semaphore_mem>>
        %dma_start3A_105 = arith.constant 0 : i32
        %dma_start3A_106 = tpu.memref_slice %arg11[%run_scoped3A_103, %dma_start3A_105] : memref<157x128xi32, #tpu.memory_space<vmem>> -> memref<1x128xi32, #tpu.memory_space<vmem>>
        %dma_start3A_107 = tpu.memref_squeeze %dma_start3A_106 : memref<1x128xi32, #tpu.memory_space<vmem>> -> memref<128xi32, #tpu.memory_space<vmem>>
        %dma_start3A_108 = arith.constant 0 : i32
        %dma_start3A_109 = arith.constant 0 : i32
        %dma_start3A_110 = tpu.memref_slice %arg18[%dma_start3A_108, %dma_start3A_109] : memref<10112x8xf32, #tpu.memory_space<vmem_shared>> -> memref<10112x8xf32, #tpu.memory_space<vmem_shared>>
        tpu.enqueue_indirect_dma source(%arg16 : memref<128x8xf32, #tpu.memory_space<vmem>>) target(%dma_start3A_110 : memref<10112x8xf32, #tpu.memory_space<vmem_shared>>) offsets(%dma_start3A_107 : memref<128xi32, #tpu.memory_space<vmem>>) semaphore(%run_scoped3A_104 : memref<!tpu.dma_semaphore, #tpu.memory_space<semaphore_mem>>) {add = true}
        %dma_wait3A_111 = arith.constant 0 : i32
        %dma_wait3A_112 = tpu.memref_slice %arg11[%run_scoped3A_103, %dma_wait3A_111] : memref<157x128xi32, #tpu.memory_space<vmem>> -> memref<1x128xi32, #tpu.memory_space<vmem>>
        %dma_wait3A_113 = tpu.memref_squeeze %dma_wait3A_112 : memref<1x128xi32, #tpu.memory_space<vmem>> -> memref<128xi32, #tpu.memory_space<vmem>>
        %dma_wait3A_114 = arith.constant 0 : i32
        %dma_wait3A_115 = arith.constant 0 : i32
        %dma_wait3A_116 = tpu.memref_slice %arg18[%dma_wait3A_114, %dma_wait3A_115] : memref<10112x8xf32, #tpu.memory_space<vmem_shared>> -> memref<10112x8xf32, #tpu.memory_space<vmem_shared>>
        tpu.wait_indirect_dma semaphore(%run_scoped3A_104 : memref<!tpu.dma_semaphore, #tpu.memory_space<semaphore_mem>>) src(%arg16 : memref<128x8xf32, #tpu.memory_space<vmem>>) dst(%dma_wait3A_116 : memref<10112x8xf32, #tpu.memory_space<vmem_shared>>)
        tpu.yield
      }) : () -> ()
    } else {
    }
    %dma_start3A_82 = arith.constant 156 : i32
    %dma_start3A_83 = arith.constant 0 : i32
    %dma_start3A_84 = tpu.memref_slice %arg10[%dma_start3A_82, %dma_start3A_83] : memref<157x128xi32, #tpu.memory_space<vmem>> -> memref<1x128xi32, #tpu.memory_space<vmem>>
    %dma_start3A_85 = tpu.memref_squeeze %dma_start3A_84 : memref<1x128xi32, #tpu.memory_space<vmem>> -> memref<128xi32, #tpu.memory_space<vmem>>
    %dma_start3A_86 = arith.constant 0 : i32
    %dma_start3A_87 = arith.constant 0 : i32
    %dma_start3A_88 = tpu.memref_slice %arg2[%dma_start3A_86, %dma_start3A_87] : memref<20000x64xf32, #tpu.memory_space<hbm>> -> memref<20000x64xf32, #tpu.memory_space<hbm>>
    tpu.enqueue_indirect_dma source(%dma_start3A_88 : memref<20000x64xf32, #tpu.memory_space<hbm>>) target(%arg12 : memref<128x64xf32, #tpu.memory_space<vmem>>) offsets(%dma_start3A_85 : memref<128xi32, #tpu.memory_space<vmem>>) semaphore(%arg19 : memref<!tpu.dma_semaphore, #tpu.memory_space<semaphore_mem>>)
    %dma_wait3A_89 = arith.constant 156 : i32
    %dma_wait3A_90 = arith.constant 0 : i32
    %dma_wait3A_91 = tpu.memref_slice %arg10[%dma_wait3A_89, %dma_wait3A_90] : memref<157x128xi32, #tpu.memory_space<vmem>> -> memref<1x128xi32, #tpu.memory_space<vmem>>
    %dma_wait3A_92 = tpu.memref_squeeze %dma_wait3A_91 : memref<1x128xi32, #tpu.memory_space<vmem>> -> memref<128xi32, #tpu.memory_space<vmem>>
    %dma_wait3A_93 = arith.constant 0 : i32
    %dma_wait3A_94 = arith.constant 0 : i32
    %dma_wait3A_95 = tpu.memref_slice %arg2[%dma_wait3A_93, %dma_wait3A_94] : memref<20000x64xf32, #tpu.memory_space<hbm>> -> memref<20000x64xf32, #tpu.memory_space<hbm>>
    tpu.wait_indirect_dma semaphore(%arg19 : memref<!tpu.dma_semaphore, #tpu.memory_space<semaphore_mem>>) src(%dma_wait3A_95 : memref<20000x64xf32, #tpu.memory_space<hbm>>) dst(%arg12 : memref<128x64xf32, #tpu.memory_space<vmem>>)
    %run_scoped3A_96 = arith.constant 156 : i32
    "tpu.region"() ({
      %run_scoped3A_103 = tpu.sem_alloc : memref<!tpu.dma_semaphore, #tpu.memory_space<semaphore_mem>>
      %dma_start3A_104 = arith.constant 0 : i32
      %dma_start3A_105 = tpu.memref_slice %arg11[%run_scoped3A_96, %dma_start3A_104] : memref<157x128xi32, #tpu.memory_space<vmem>> -> memref<1x128xi32, #tpu.memory_space<vmem>>
      %dma_start3A_106 = tpu.memref_squeeze %dma_start3A_105 : memref<1x128xi32, #tpu.memory_space<vmem>> -> memref<128xi32, #tpu.memory_space<vmem>>
      %dma_start3A_107 = arith.constant 0 : i32
      %dma_start3A_108 = arith.constant 0 : i32
      %dma_start3A_109 = tpu.memref_slice %arg17[%dma_start3A_107, %dma_start3A_108] : memref<10112x64xf32, #tpu.memory_space<vmem_shared>> -> memref<10112x64xf32, #tpu.memory_space<vmem_shared>>
      tpu.enqueue_indirect_dma source(%arg12 : memref<128x64xf32, #tpu.memory_space<vmem>>) target(%dma_start3A_109 : memref<10112x64xf32, #tpu.memory_space<vmem_shared>>) offsets(%dma_start3A_106 : memref<128xi32, #tpu.memory_space<vmem>>) semaphore(%run_scoped3A_103 : memref<!tpu.dma_semaphore, #tpu.memory_space<semaphore_mem>>) {add = true}
      %dma_wait3A_110 = arith.constant 0 : i32
      %dma_wait3A_111 = tpu.memref_slice %arg11[%run_scoped3A_96, %dma_wait3A_110] : memref<157x128xi32, #tpu.memory_space<vmem>> -> memref<1x128xi32, #tpu.memory_space<vmem>>
      %dma_wait3A_112 = tpu.memref_squeeze %dma_wait3A_111 : memref<1x128xi32, #tpu.memory_space<vmem>> -> memref<128xi32, #tpu.memory_space<vmem>>
      %dma_wait3A_113 = arith.constant 0 : i32
      %dma_wait3A_114 = arith.constant 0 : i32
      %dma_wait3A_115 = tpu.memref_slice %arg17[%dma_wait3A_113, %dma_wait3A_114] : memref<10112x64xf32, #tpu.memory_space<vmem_shared>> -> memref<10112x64xf32, #tpu.memory_space<vmem_shared>>
      tpu.wait_indirect_dma semaphore(%run_scoped3A_103 : memref<!tpu.dma_semaphore, #tpu.memory_space<semaphore_mem>>) src(%arg12 : memref<128x64xf32, #tpu.memory_space<vmem>>) dst(%dma_wait3A_115 : memref<10112x64xf32, #tpu.memory_space<vmem_shared>>)
      tpu.yield
    }) : () -> ()
    %eq3A_97 = arith.constant 0 : i32
    %eq3A_98 = arith.cmpi eq, %arg0, %eq3A_97 : i32
    %convert_element_type3A_99 = arith.extui %eq3A_98 : i1 to i32
    %cond3A_100 = arith.constant 0 : i32
    %cond3A_101 = arith.cmpi ne, %convert_element_type3A_99, %cond3A_100 : i32
    scf.if %cond3A_101 {
      %run_scoped3A_103 = arith.constant 156 : i32
      "tpu.region"() ({
        %run_scoped3A_104 = tpu.sem_alloc : memref<!tpu.dma_semaphore, #tpu.memory_space<semaphore_mem>>
        %dma_start3A_105 = arith.constant 0 : i32
        %dma_start3A_106 = tpu.memref_slice %arg11[%run_scoped3A_103, %dma_start3A_105] : memref<157x128xi32, #tpu.memory_space<vmem>> -> memref<1x128xi32, #tpu.memory_space<vmem>>
        %dma_start3A_107 = tpu.memref_squeeze %dma_start3A_106 : memref<1x128xi32, #tpu.memory_space<vmem>> -> memref<128xi32, #tpu.memory_space<vmem>>
        %dma_start3A_108 = arith.constant 0 : i32
        %dma_start3A_109 = arith.constant 0 : i32
        %dma_start3A_110 = tpu.memref_slice %arg18[%dma_start3A_108, %dma_start3A_109] : memref<10112x8xf32, #tpu.memory_space<vmem_shared>> -> memref<10112x8xf32, #tpu.memory_space<vmem_shared>>
        tpu.enqueue_indirect_dma source(%arg16 : memref<128x8xf32, #tpu.memory_space<vmem>>) target(%dma_start3A_110 : memref<10112x8xf32, #tpu.memory_space<vmem_shared>>) offsets(%dma_start3A_107 : memref<128xi32, #tpu.memory_space<vmem>>) semaphore(%run_scoped3A_104 : memref<!tpu.dma_semaphore, #tpu.memory_space<semaphore_mem>>) {add = true}
        %dma_wait3A_111 = arith.constant 0 : i32
        %dma_wait3A_112 = tpu.memref_slice %arg11[%run_scoped3A_103, %dma_wait3A_111] : memref<157x128xi32, #tpu.memory_space<vmem>> -> memref<1x128xi32, #tpu.memory_space<vmem>>
        %dma_wait3A_113 = tpu.memref_squeeze %dma_wait3A_112 : memref<1x128xi32, #tpu.memory_space<vmem>> -> memref<128xi32, #tpu.memory_space<vmem>>
        %dma_wait3A_114 = arith.constant 0 : i32
        %dma_wait3A_115 = arith.constant 0 : i32
        %dma_wait3A_116 = tpu.memref_slice %arg18[%dma_wait3A_114, %dma_wait3A_115] : memref<10112x8xf32, #tpu.memory_space<vmem_shared>> -> memref<10112x8xf32, #tpu.memory_space<vmem_shared>>
        tpu.wait_indirect_dma semaphore(%run_scoped3A_104 : memref<!tpu.dma_semaphore, #tpu.memory_space<semaphore_mem>>) src(%arg16 : memref<128x8xf32, #tpu.memory_space<vmem>>) dst(%dma_wait3A_116 : memref<10112x8xf32, #tpu.memory_space<vmem_shared>>)
        tpu.yield
      }) : () -> ()
    } else {
    }
    %barrier3A_102 = arith.constant 0 : index
    tpu.barrier barrier_id(%barrier3A_102)
    "tpu.region"() ({
      %run_scoped3A_103 = tpu.sem_alloc : memref<!tpu.dma_semaphore, #tpu.memory_space<semaphore_mem>>
      %dma_start3A_104 = arith.constant 0 : i32
      %dma_start3A_105 = tpu.memref_slice %arg8[%arg0, %mul3A_2, %dma_start3A_104] : memref<2x10112x64xf32, #tpu.memory_space<hbm>> -> memref<1x632x64xf32, #tpu.memory_space<hbm>>
      %dma_start3A_106 = tpu.memref_squeeze %dma_start3A_105 : memref<1x632x64xf32, #tpu.memory_space<hbm>> -> memref<632x64xf32, #tpu.memory_space<hbm>>
      %dma_start3A_107 = arith.constant 0 : i32
      %dma_start3A_108 = tpu.memref_slice %arg17[%mul3A_2, %dma_start3A_107] : memref<10112x64xf32, #tpu.memory_space<vmem_shared>> -> memref<632x64xf32, #tpu.memory_space<vmem_shared>>
      tpu.enqueue_dma source(%dma_start3A_108 : memref<632x64xf32, #tpu.memory_space<vmem_shared>>) target(%dma_start3A_106 : memref<632x64xf32, #tpu.memory_space<hbm>>) target_semaphore(%run_scoped3A_103 : memref<!tpu.dma_semaphore, #tpu.memory_space<semaphore_mem>>)
      %dma_wait3A_109 = arith.constant 0 : i32
      %dma_wait3A_110 = tpu.memref_slice %arg8[%arg0, %mul3A_2, %dma_wait3A_109] : memref<2x10112x64xf32, #tpu.memory_space<hbm>> -> memref<1x632x64xf32, #tpu.memory_space<hbm>>
      %dma_wait3A_111 = tpu.memref_squeeze %dma_wait3A_110 : memref<1x632x64xf32, #tpu.memory_space<hbm>> -> memref<632x64xf32, #tpu.memory_space<hbm>>
      %dma_wait3A_112 = arith.constant 0 : i32
      %dma_wait3A_113 = tpu.memref_slice %arg17[%mul3A_2, %dma_wait3A_112] : memref<10112x64xf32, #tpu.memory_space<vmem_shared>> -> memref<632x64xf32, #tpu.memory_space<vmem_shared>>
      tpu.wait_dma2 semaphore(%run_scoped3A_103 : memref<!tpu.dma_semaphore, #tpu.memory_space<semaphore_mem>>) src(%dma_wait3A_113 : memref<632x64xf32, #tpu.memory_space<vmem_shared>>) dst(%dma_wait3A_111 : memref<632x64xf32, #tpu.memory_space<hbm>>)
      tpu.yield
    }) : () -> ()
    "tpu.region"() ({
      %run_scoped3A_103 = tpu.sem_alloc : memref<!tpu.dma_semaphore, #tpu.memory_space<semaphore_mem>>
      %dma_start3A_104 = arith.constant 0 : i32
      %dma_start3A_105 = tpu.memref_slice %arg9[%arg0, %mul3A_2, %dma_start3A_104] : memref<2x10112x8xf32, #tpu.memory_space<hbm>> -> memref<1x632x8xf32, #tpu.memory_space<hbm>>
      %dma_start3A_106 = tpu.memref_squeeze %dma_start3A_105 : memref<1x632x8xf32, #tpu.memory_space<hbm>> -> memref<632x8xf32, #tpu.memory_space<hbm>>
      %dma_start3A_107 = arith.constant 0 : i32
      %dma_start3A_108 = tpu.memref_slice %arg18[%mul3A_2, %dma_start3A_107] : memref<10112x8xf32, #tpu.memory_space<vmem_shared>> -> memref<632x8xf32, #tpu.memory_space<vmem_shared>>
      tpu.enqueue_dma source(%dma_start3A_108 : memref<632x8xf32, #tpu.memory_space<vmem_shared>>) target(%dma_start3A_106 : memref<632x8xf32, #tpu.memory_space<hbm>>) target_semaphore(%run_scoped3A_103 : memref<!tpu.dma_semaphore, #tpu.memory_space<semaphore_mem>>)
      %dma_wait3A_109 = arith.constant 0 : i32
      %dma_wait3A_110 = tpu.memref_slice %arg9[%arg0, %mul3A_2, %dma_wait3A_109] : memref<2x10112x8xf32, #tpu.memory_space<hbm>> -> memref<1x632x8xf32, #tpu.memory_space<hbm>>
      %dma_wait3A_111 = tpu.memref_squeeze %dma_wait3A_110 : memref<1x632x8xf32, #tpu.memory_space<hbm>> -> memref<632x8xf32, #tpu.memory_space<hbm>>
      %dma_wait3A_112 = arith.constant 0 : i32
      %dma_wait3A_113 = tpu.memref_slice %arg18[%mul3A_2, %dma_wait3A_112] : memref<10112x8xf32, #tpu.memory_space<vmem_shared>> -> memref<632x8xf32, #tpu.memory_space<vmem_shared>>
      tpu.wait_dma2 semaphore(%run_scoped3A_103 : memref<!tpu.dma_semaphore, #tpu.memory_space<semaphore_mem>>) src(%dma_wait3A_113 : memref<632x8xf32, #tpu.memory_space<vmem_shared>>) dst(%dma_wait3A_111 : memref<632x8xf32, #tpu.memory_space<hbm>>)
      tpu.yield
    }) : () -> ()
    return
  }
}

module attributes {stable_mosaic.version = 14 : i64} {
  func.func @_tc_body(%arg0: memref<2x10112x64xf32, #tpu.memory_space<vmem>>, %arg1: memref<2x10112x8xf32, #tpu.memory_space<vmem>>, %arg2: memref<10000x128xf32, #tpu.memory_space<vmem>>, %arg3: memref<128x128xf32, #tpu.memory_space<vmem>>, %arg4: memref<1x128xf32, #tpu.memory_space<vmem>>, %arg5: memref<128x128xf32, #tpu.memory_space<vmem>>, %arg6: memref<1x128xf32, #tpu.memory_space<vmem>>, %arg7: memref<1x128xf32, #tpu.memory_space<vmem>>, %arg8: memref<10000x128xf32, #tpu.memory_space<vmem>>, %arg9: memref<10000x128xf32, #tpu.memory_space<vmem>>) attributes {dimension_semantics = [], scalar_prefetch = 0 : i64, scratch_operands = 0 : i64, tpu.core_type = #tpu.core_type<tc>} {
    %get3A = arith.constant 0 : index
    %get3A_0 = arith.constant 0 : index
    %get3A_1 = arith.constant 0 : index
    %get3A_2 = vector.load %arg0[%get3A, %get3A_0, %get3A_1] : memref<2x10112x64xf32, #tpu.memory_space<vmem>>, vector<1x10112x64xf32>
    %get3A_3 = vector.shape_cast %get3A_2 : vector<1x10112x64xf32> to vector<10112x64xf32>
    %get3A_4 = arith.constant 1 : index
    %get3A_5 = arith.constant 0 : index
    %get3A_6 = arith.constant 0 : index
    %get3A_7 = vector.load %arg0[%get3A_4, %get3A_5, %get3A_6] : memref<2x10112x64xf32, #tpu.memory_space<vmem>>, vector<1x10112x64xf32>
    %get3A_8 = vector.shape_cast %get3A_7 : vector<1x10112x64xf32> to vector<10112x64xf32>
    %concatenate3A = tpu.concatenate %get3A_3, %get3A_8 in 1 : vector<10112x64xf32>, vector<10112x64xf32> -> vector<10112x128xf32>
    %slice3A = vector.extract_strided_slice %concatenate3A {offsets = [0, 0], sizes = [10000, 128], strides = [1, 1]} : vector<10112x128xf32> to vector<10000x128xf32>
    %get3A_9 = arith.constant 0 : index
    %get3A_10 = arith.constant 0 : index
    %get3A_11 = arith.constant 0 : index
    %get3A_12 = vector.load %arg1[%get3A_9, %get3A_10, %get3A_11] : memref<2x10112x8xf32, #tpu.memory_space<vmem>>, vector<1x10112x8xf32>
    %get3A_13 = vector.shape_cast %get3A_12 : vector<1x10112x8xf32> to vector<10112x8xf32>
    %get3A_14 = arith.constant 1 : index
    %get3A_15 = arith.constant 0 : index
    %get3A_16 = arith.constant 0 : index
    %get3A_17 = vector.load %arg1[%get3A_14, %get3A_15, %get3A_16] : memref<2x10112x8xf32, #tpu.memory_space<vmem>>, vector<1x10112x8xf32>
    %get3A_18 = vector.shape_cast %get3A_17 : vector<1x10112x8xf32> to vector<10112x8xf32>
    %add3A = arith.addf %get3A_13, %get3A_18 : vector<10112x8xf32>
    %slice3A_19 = vector.extract_strided_slice %add3A {offsets = [0, 0], sizes = [10000, 1], strides = [1, 1]} : vector<10112x8xf32> to vector<10000x1xf32>
    %max3A = arith.constant 1.000000e+00 : f32
    %max3A_20 = vector.broadcast %max3A : f32 to vector<10000x1xf32>
    %max3A_21 = arith.maximumf %slice3A_19, %max3A_20 : vector<10000x1xf32>
    %div3A = vector.broadcast %max3A_21 : vector<10000x1xf32> to vector<10000x128xf32>
    %div3A_22 = arith.divf %slice3A, %div3A : vector<10000x128xf32>
    %get3A_23 = arith.constant 0 : index
    %get3A_24 = arith.constant 0 : index
    %get3A_25 = vector.load %arg3[%get3A_23, %get3A_24] : memref<128x128xf32, #tpu.memory_space<vmem>>, vector<128x128xf32>
    %dot_general3A = arith.constant dense<0.000000e+00> : vector<10000x128xf32>
    %dot_general3A_26 = tpu.matmul %div3A_22, %get3A_25, %dot_general3A {dimension_numbers = #tpu.dot_dimension_numbers<[1], [0], [0], [1], [0, 0, 1, 1], [], []>, transpose_lhs_hint = false} : vector<10000x128xf32>, vector<128x128xf32>, vector<10000x128xf32> -> vector<10000x128xf32>
    %get3A_27 = arith.constant 0 : index
    %get3A_28 = arith.constant 0 : index
    %get3A_29 = vector.load %arg4[%get3A_27, %get3A_28] : memref<1x128xf32, #tpu.memory_space<vmem>>, vector<1x128xf32>
    %add3A_30 = vector.broadcast %get3A_29 : vector<1x128xf32> to vector<10000x128xf32>
    %add3A_31 = arith.addf %dot_general3A_26, %add3A_30 : vector<10000x128xf32>
    %get3A_32 = arith.constant 0 : index
    %get3A_33 = arith.constant 0 : index
    %get3A_34 = vector.load %arg2[%get3A_32, %get3A_33] : memref<10000x128xf32, #tpu.memory_space<vmem>>, vector<10000x128xf32>
    %get3A_35 = arith.constant 0 : index
    %get3A_36 = arith.constant 0 : index
    %get3A_37 = vector.load %arg5[%get3A_35, %get3A_36] : memref<128x128xf32, #tpu.memory_space<vmem>>, vector<128x128xf32>
    %dot_general3A_38 = arith.constant dense<0.000000e+00> : vector<10000x128xf32>
    %dot_general3A_39 = tpu.matmul %get3A_34, %get3A_37, %dot_general3A_38 {dimension_numbers = #tpu.dot_dimension_numbers<[1], [0], [0], [1], [0, 0, 1, 1], [], []>, transpose_lhs_hint = false} : vector<10000x128xf32>, vector<128x128xf32>, vector<10000x128xf32> -> vector<10000x128xf32>
    %add3A_40 = arith.addf %add3A_31, %dot_general3A_39 : vector<10000x128xf32>
    %reduce_sum3A = vector.shape_cast %add3A_40 : vector<10000x128xf32> to vector<1x10000x128xf32>
    %reduce_sum3A_41 = arith.constant dense<0.000000e+00> : vector<1xf32>
    %reduce_sum3A_42 = vector.multi_reduction <add>, %reduce_sum3A, %reduce_sum3A_41 [1, 2] : vector<1x10000x128xf32> to vector<1xf32>
    %reduce_sum3A_43 = vector.shape_cast %reduce_sum3A_42 : vector<1xf32> to vector<1x1x1xf32>
    %reduce_sum3A_44 = vector.extract %reduce_sum3A_43[0, 0, 0] : f32 from vector<1x1x1xf32>
    %div3A_45 = arith.constant 1.280000e+06 : f32
    %div3A_46 = arith.divf %reduce_sum3A_44, %div3A_45 : f32
    %sub3A = vector.broadcast %div3A_46 : f32 to vector<10000x128xf32>
    %sub3A_47 = arith.subf %add3A_40, %sub3A : vector<10000x128xf32>
    %mul3A = arith.mulf %sub3A_47, %sub3A_47 : vector<10000x128xf32>
    %reduce_sum3A_48 = vector.shape_cast %mul3A : vector<10000x128xf32> to vector<1x10000x128xf32>
    %reduce_sum3A_49 = arith.constant dense<0.000000e+00> : vector<1xf32>
    %reduce_sum3A_50 = vector.multi_reduction <add>, %reduce_sum3A_48, %reduce_sum3A_49 [1, 2] : vector<1x10000x128xf32> to vector<1xf32>
    %reduce_sum3A_51 = vector.shape_cast %reduce_sum3A_50 : vector<1xf32> to vector<1x1x1xf32>
    %reduce_sum3A_52 = vector.extract %reduce_sum3A_51[0, 0, 0] : f32 from vector<1x1x1xf32>
    %div3A_53 = arith.constant 1.280000e+06 : f32
    %div3A_54 = arith.divf %reduce_sum3A_52, %div3A_53 : f32
    %sqrt3A = math.sqrt %div3A_54 : f32
    %add3A_55 = arith.constant 9.99999974E-6 : f32
    %add3A_56 = arith.addf %sqrt3A, %add3A_55 : f32
    %div3A_57 = vector.broadcast %add3A_56 : f32 to vector<10000x128xf32>
    %div3A_58 = arith.divf %sub3A_47, %div3A_57 : vector<10000x128xf32>
    %get3A_59 = arith.constant 0 : index
    %get3A_60 = arith.constant 0 : index
    %get3A_61 = vector.load %arg6[%get3A_59, %get3A_60] : memref<1x128xf32, #tpu.memory_space<vmem>>, vector<1x128xf32>
    %mul3A_62 = vector.broadcast %get3A_61 : vector<1x128xf32> to vector<10000x128xf32>
    %mul3A_63 = arith.mulf %div3A_58, %mul3A_62 : vector<10000x128xf32>
    %get3A_64 = arith.constant 0 : index
    %get3A_65 = arith.constant 0 : index
    %get3A_66 = vector.load %arg7[%get3A_64, %get3A_65] : memref<1x128xf32, #tpu.memory_space<vmem>>, vector<1x128xf32>
    %add3A_67 = vector.broadcast %get3A_66 : vector<1x128xf32> to vector<10000x128xf32>
    %add3A_68 = arith.addf %mul3A_63, %add3A_67 : vector<10000x128xf32>
    %max3A_69 = arith.constant 0.000000e+00 : f32
    %max3A_70 = vector.broadcast %max3A_69 : f32 to vector<10000x128xf32>
    %max3A_71 = arith.maximumf %add3A_68, %max3A_70 : vector<10000x128xf32>
    %swap3A = arith.constant 0 : index
    %swap3A_72 = arith.constant 0 : index
    %swap3A_73 = vector.load %arg9[%swap3A, %swap3A_72] : memref<10000x128xf32, #tpu.memory_space<vmem>>, vector<10000x128xf32>
    tpu.vector_store %arg9[%swap3A, %swap3A_72], %max3A_71 {strides = array<i32>} : memref<10000x128xf32, #tpu.memory_space<vmem>>, vector<10000x128xf32>,
    return
  }
}

module attributes {stable_mosaic.version = 14 : i64} {
  func.func @_tc_body(%arg0: memref<2x10112x64xf32, #tpu.memory_space<vmem>>, %arg1: memref<2x10112x8xf32, #tpu.memory_space<vmem>>, %arg2: memref<10000x128xf32, #tpu.memory_space<vmem>>, %arg3: memref<128x128xf32, #tpu.memory_space<vmem>>, %arg4: memref<1x128xf32, #tpu.memory_space<vmem>>, %arg5: memref<128x128xf32, #tpu.memory_space<vmem>>, %arg6: memref<1x128xf32, #tpu.memory_space<vmem>>, %arg7: memref<1x128xf32, #tpu.memory_space<vmem>>, %arg8: memref<10000x128xf32, #tpu.memory_space<vmem>>, %arg9: memref<10000x128xf32, #tpu.memory_space<vmem>>) attributes {dimension_semantics = [], scalar_prefetch = 0 : i64, scratch_operands = 0 : i64, tpu.core_type = #tpu.core_type<tc>} {
    %get3A = arith.constant 0 : index
    %get3A_0 = arith.constant 0 : index
    %get3A_1 = arith.constant 0 : index
    %get3A_2 = vector.load %arg0[%get3A, %get3A_0, %get3A_1] : memref<2x10112x64xf32, #tpu.memory_space<vmem>>, vector<1x10112x64xf32>
    %get3A_3 = vector.shape_cast %get3A_2 : vector<1x10112x64xf32> to vector<10112x64xf32>
    %get3A_4 = arith.constant 1 : index
    %get3A_5 = arith.constant 0 : index
    %get3A_6 = arith.constant 0 : index
    %get3A_7 = vector.load %arg0[%get3A_4, %get3A_5, %get3A_6] : memref<2x10112x64xf32, #tpu.memory_space<vmem>>, vector<1x10112x64xf32>
    %get3A_8 = vector.shape_cast %get3A_7 : vector<1x10112x64xf32> to vector<10112x64xf32>
    %concatenate3A = tpu.concatenate %get3A_3, %get3A_8 in 1 : vector<10112x64xf32>, vector<10112x64xf32> -> vector<10112x128xf32>
    %slice3A = vector.extract_strided_slice %concatenate3A {offsets = [0, 0], sizes = [10000, 128], strides = [1, 1]} : vector<10112x128xf32> to vector<10000x128xf32>
    %get3A_9 = arith.constant 0 : index
    %get3A_10 = arith.constant 0 : index
    %get3A_11 = arith.constant 0 : index
    %get3A_12 = vector.load %arg1[%get3A_9, %get3A_10, %get3A_11] : memref<2x10112x8xf32, #tpu.memory_space<vmem>>, vector<1x10112x8xf32>
    %get3A_13 = vector.shape_cast %get3A_12 : vector<1x10112x8xf32> to vector<10112x8xf32>
    %get3A_14 = arith.constant 1 : index
    %get3A_15 = arith.constant 0 : index
    %get3A_16 = arith.constant 0 : index
    %get3A_17 = vector.load %arg1[%get3A_14, %get3A_15, %get3A_16] : memref<2x10112x8xf32, #tpu.memory_space<vmem>>, vector<1x10112x8xf32>
    %get3A_18 = vector.shape_cast %get3A_17 : vector<1x10112x8xf32> to vector<10112x8xf32>
    %add3A = arith.addf %get3A_13, %get3A_18 : vector<10112x8xf32>
    %slice3A_19 = vector.extract_strided_slice %add3A {offsets = [0, 0], sizes = [10000, 1], strides = [1, 1]} : vector<10112x8xf32> to vector<10000x1xf32>
    %max3A = arith.constant 1.000000e+00 : f32
    %max3A_20 = vector.broadcast %max3A : f32 to vector<10000x1xf32>
    %max3A_21 = arith.maximumf %slice3A_19, %max3A_20 : vector<10000x1xf32>
    %div3A = vector.broadcast %max3A_21 : vector<10000x1xf32> to vector<10000x128xf32>
    %div3A_22 = arith.divf %slice3A, %div3A : vector<10000x128xf32>
    %get3A_23 = arith.constant 0 : index
    %get3A_24 = arith.constant 0 : index
    %get3A_25 = vector.load %arg3[%get3A_23, %get3A_24] : memref<128x128xf32, #tpu.memory_space<vmem>>, vector<128x128xf32>
    %dot_general3A = arith.constant dense<0.000000e+00> : vector<10000x128xf32>
    %dot_general3A_26 = tpu.matmul %div3A_22, %get3A_25, %dot_general3A {dimension_numbers = #tpu.dot_dimension_numbers<[1], [0], [0], [1], [0, 0, 1, 1], [], []>, transpose_lhs_hint = false} : vector<10000x128xf32>, vector<128x128xf32>, vector<10000x128xf32> -> vector<10000x128xf32>
    %get3A_27 = arith.constant 0 : index
    %get3A_28 = arith.constant 0 : index
    %get3A_29 = vector.load %arg4[%get3A_27, %get3A_28] : memref<1x128xf32, #tpu.memory_space<vmem>>, vector<1x128xf32>
    %add3A_30 = vector.broadcast %get3A_29 : vector<1x128xf32> to vector<10000x128xf32>
    %add3A_31 = arith.addf %dot_general3A_26, %add3A_30 : vector<10000x128xf32>
    %get3A_32 = arith.constant 0 : index
    %get3A_33 = arith.constant 0 : index
    %get3A_34 = vector.load %arg2[%get3A_32, %get3A_33] : memref<10000x128xf32, #tpu.memory_space<vmem>>, vector<10000x128xf32>
    %get3A_35 = arith.constant 0 : index
    %get3A_36 = arith.constant 0 : index
    %get3A_37 = vector.load %arg5[%get3A_35, %get3A_36] : memref<128x128xf32, #tpu.memory_space<vmem>>, vector<128x128xf32>
    %dot_general3A_38 = arith.constant dense<0.000000e+00> : vector<10000x128xf32>
    %dot_general3A_39 = tpu.matmul %get3A_34, %get3A_37, %dot_general3A_38 {dimension_numbers = #tpu.dot_dimension_numbers<[1], [0], [0], [1], [0, 0, 1, 1], [], []>, transpose_lhs_hint = false} : vector<10000x128xf32>, vector<128x128xf32>, vector<10000x128xf32> -> vector<10000x128xf32>
    %add3A_40 = arith.addf %add3A_31, %dot_general3A_39 : vector<10000x128xf32>
    %reduce_sum3A = vector.shape_cast %add3A_40 : vector<10000x128xf32> to vector<1x10000x128xf32>
    %reduce_sum3A_41 = arith.constant dense<0.000000e+00> : vector<1xf32>
    %reduce_sum3A_42 = vector.multi_reduction <add>, %reduce_sum3A, %reduce_sum3A_41 [1, 2] : vector<1x10000x128xf32> to vector<1xf32>
    %reduce_sum3A_43 = vector.shape_cast %reduce_sum3A_42 : vector<1xf32> to vector<1x1x1xf32>
    %reduce_sum3A_44 = vector.extract %reduce_sum3A_43[0, 0, 0] : f32 from vector<1x1x1xf32>
    %div3A_45 = arith.constant 1.280000e+06 : f32
    %div3A_46 = arith.divf %reduce_sum3A_44, %div3A_45 : f32
    %sub3A = vector.broadcast %div3A_46 : f32 to vector<10000x128xf32>
    %sub3A_47 = arith.subf %add3A_40, %sub3A : vector<10000x128xf32>
    %mul3A = arith.mulf %sub3A_47, %sub3A_47 : vector<10000x128xf32>
    %reduce_sum3A_48 = vector.shape_cast %mul3A : vector<10000x128xf32> to vector<1x10000x128xf32>
    %reduce_sum3A_49 = arith.constant dense<0.000000e+00> : vector<1xf32>
    %reduce_sum3A_50 = vector.multi_reduction <add>, %reduce_sum3A_48, %reduce_sum3A_49 [1, 2] : vector<1x10000x128xf32> to vector<1xf32>
    %reduce_sum3A_51 = vector.shape_cast %reduce_sum3A_50 : vector<1xf32> to vector<1x1x1xf32>
    %reduce_sum3A_52 = vector.extract %reduce_sum3A_51[0, 0, 0] : f32 from vector<1x1x1xf32>
    %div3A_53 = arith.constant 1.280000e+06 : f32
    %div3A_54 = arith.divf %reduce_sum3A_52, %div3A_53 : f32
    %sqrt3A = math.sqrt %div3A_54 : f32
    %add3A_55 = arith.constant 9.99999974E-6 : f32
    %add3A_56 = arith.addf %sqrt3A, %add3A_55 : f32
    %div3A_57 = vector.broadcast %add3A_56 : f32 to vector<10000x128xf32>
    %div3A_58 = arith.divf %sub3A_47, %div3A_57 : vector<10000x128xf32>
    %get3A_59 = arith.constant 0 : index
    %get3A_60 = arith.constant 0 : index
    %get3A_61 = vector.load %arg6[%get3A_59, %get3A_60] : memref<1x128xf32, #tpu.memory_space<vmem>>, vector<1x128xf32>
    %mul3A_62 = vector.broadcast %get3A_61 : vector<1x128xf32> to vector<10000x128xf32>
    %mul3A_63 = arith.mulf %div3A_58, %mul3A_62 : vector<10000x128xf32>
    %get3A_64 = arith.constant 0 : index
    %get3A_65 = arith.constant 0 : index
    %get3A_66 = vector.load %arg7[%get3A_64, %get3A_65] : memref<1x128xf32, #tpu.memory_space<vmem>>, vector<1x128xf32>
    %add3A_67 = vector.broadcast %get3A_66 : vector<1x128xf32> to vector<10000x128xf32>
    %add3A_68 = arith.addf %mul3A_63, %add3A_67 : vector<10000x128xf32>
    %max3A_69 = arith.constant 0.000000e+00 : f32
    %max3A_70 = vector.broadcast %max3A_69 : f32 to vector<10000x128xf32>
    %max3A_71 = arith.maximumf %add3A_68, %max3A_70 : vector<10000x128xf32>
    %get3A_72 = arith.constant 0 : index
    %get3A_73 = arith.constant 0 : index
    %get3A_74 = vector.load %arg8[%get3A_72, %get3A_73] : memref<10000x128xf32, #tpu.memory_space<vmem>>, vector<10000x128xf32>
    %add3A_75 = arith.addf %max3A_71, %get3A_74 : vector<10000x128xf32>
    %swap3A = arith.constant 0 : index
    %swap3A_76 = arith.constant 0 : index
    %swap3A_77 = vector.load %arg9[%swap3A, %swap3A_76] : memref<10000x128xf32, #tpu.memory_space<vmem>>, vector<10000x128xf32>
    tpu.vector_store %arg9[%swap3A, %swap3A_76], %add3A_75 {strides = array<i32>} : memref<10000x128xf32, #tpu.memory_space<vmem>>, vector<10000x128xf32>,
    return
  }
}

</mosaic_0001>

<sc_bundles>
// kernel: kernel.6.cloned.1.call-start
scs
__scs_entry_jumppad:
0x0: {  	(pc) =	sbr.rel $0x88, $3  }
0x1: {  	(tag) =	ssettag $0x0;
	lr =	simm.s32 $0x1  }
0x2: {  	[smem:$0x3F95] =	sst lr;
	_ =	strace $0xD0000000  }
0x3: {  	_ = 	snop  }
0x4: {  	_ = 	snop  }
0x5: {  	_ = 	snop  }
0x6: {  	_ = 	snop  }
0x7: {  	_ = 	snop  }
__scs_overlays_trampoline_lowered:
0x8: {  	[smem:$0x3FA4] =	sst s0  }
0x9: {  	[smem:$0x3FA5] =	sst s1  }
0xa: {  	[smem:$0x3FA6] =	sst s2  }
0xb: {  	[smem:$0x3FA7] =	sst s3  }
0xc: {  	[smem:$0x3FA8] =	sst s4  }
0xd: {  	[smem:$0x3FA9] =	sst s5  }
0xe: {  	[smem:$0x3FAA] =	sst s6  }
0xf: {  	[smem:$0x3FAB] =	sst s7  }
0x10: {  	[smem:$0x3FAC] =	sst s8  }
0x11: {  	[smem:$0x3FAD] =	sst s9;
	s0 =	simm.s32 @!p0 $0x0  }
0x12: {  	s1 =	sld [smem:$0x3F93];
	s0 =	simm.s32 @p0 $0x1  }
0x13: {  	[smem:$0x3FAE] =	sst s0;
	s0 =	simm.s32 @!p1 $0x0  }
0x14: {  	s2 =	sld [smem:$0x3F92];
	s0 =	simm.s32 @p1 $0x1  }
0x15: {  	[smem:$0x3FAF] =	sst s0;
	s0 =	simm.s32 @!p2 $0x0  }
0x16: {  	s3 =	sld [smem:$0x3FDB];
	s0 =	simm.s32 @p2 $0x1  }
0x17: {  	s4 =	simm.s32 $0x1BF5;
	[smem:$0x3FB1] =	sst s0  }
0x18: {  	s0 =	sld [smem:$0x3F94];
	_ =	swait.ge [sflag:s4], $0x0  }
0x19: {  	s7 =	sld [smem:$0x3F95]  }
0x1a: {  	s8 =	sadd.s32 $0xFFFFE003, lr  }
0x1b: {  	s9 =	sadd.s32 $0xFFFFFEF7, lr;
	s5 =	simm.s32 $0xFFFFFFFF;
	p2 =	slt.u32 s8, $0xFFFFF086  }
0x1c: {  	p1 =	slt.u32 s9, $0xF7A;
	s5 =	simm.s32 @!p2 $0x0  }
0x1d: {  	s5 =	simm.s32 @p1 $0x1;
	p0 =	seq.s32 s7, s2  }
0x1e: {  	s7 =	smul.u32 @!p0 $0xF7A, s2;
	p2 =	seq.s32 @!p0 s5, $0x0  }
0x1f: {  	s9 =	smul.u32 $0xF7A, s1;
	s8 =	simm.s32 @!p0 $0x1BF5;
	p2 =	por !p2, p0  }
0x20: {  	[sflag:s8] =	ssyncset.s32 @!p0 $0xFFFFF086;
	s6 =	sadd.s32 @!p0 s3, s7;
	s7 =	simm.s32 @!p0 $0x108  }
0x21: {  	s3 =	sadd.s32 s3, s9;
	s6 =	sadd.s32 @!p0 $0x88, s6;
	s7 =	simm.s32 @p2 $0x1082  }
0x22: {  	[simem:s7], [sflag:s8] =	dma.local @!p0 [hbm:s6], $0xF7A  }
0x23: {  	s9 =	sor.u32 $0xD0000000, s2;
	s6 =	simm.s32 $0x108;
	_ =	swait.ge @!p0 [sflag:s8], $0x0  }
0x24: {  	s3 =	sadd.s32 $0x88, s3;
	s6 =	simm.s32 @!p1 $0x1082;
	[sflag:s4] =	ssyncset.s32 $0xFFFFF086  }
0x25: {  	[simem:s6], [sflag:s4] =	dma.local [hbm:s3], $0xF7A  }
0x26: {  	[smem:$0x3F95] =	sst s1;
	(tag) =	ssettag s2;
	_ =	strace s9  }
0x27: {  	s1 =	sld [smem:$0x3FA5]  }
0x28: {  	s2 =	sld [smem:$0x3FA6]  }
0x29: {  	s4 =	sld [smem:$0x3FA8]  }
0x2a: {  	p0 =	seq.s32 s5, $0x0;
	s5 =	sld [smem:$0x3FA9]  }
0x2b: {  	s6 =	sld [smem:$0x3FAA]  }
0x2c: {  	s7 =	sld [smem:$0x3FAB]  }
0x2d: {  	s3 =	simm.s32 $0x108;
	s8 =	sld [smem:$0x3FAC]  }
0x2e: {  	s3 =	simm.s32 @!p0 $0x1082;
	s9 =	sld [smem:$0x3FAD]  }
0x2f: {  	lr =	sadd.s32 s0, s3;
	s0 =	sld [smem:$0x3FA4]  }
0x30: {  	s3 =	sld [smem:$0x3FA7]  }
0x31: {  	[smem:$0x3FB0] =	sst s10  }
0x32: {  	s10 =	sld [smem:$0x3FAE];
	_ =	sdelay $0x3  }
0x33: {  	p0 =	seq.s32 s10, $0x1;
	s10 =	sld [smem:$0x3FB0];
	_ =	sdelay $0x3  }
0x34: {  	[smem:$0x3FB0] =	sst s10  }
0x35: {  	s10 =	sld [smem:$0x3FAF];
	_ =	sdelay $0x3  }
0x36: {  	p1 =	seq.s32 s10, $0x1;
	s10 =	sld [smem:$0x3FB0];
	_ =	sdelay $0x3  }
0x37: {  	[smem:$0x3FB0] =	sst s10  }
0x38: {  	s10 =	sld [smem:$0x3FB1]  }
0x39: {  	_ = 	snop;
	(pc) =	sbr.ind lr, $3  }
0x3a: {  	_ = 	snop  }
0x3b: {  	_ = 	snop  }
0x3c: {  	p2 =	seq.s32 s10, $0x1;
	s10 =	sld [smem:$0x3FB0]  }
0x3d: {  	_ =	shalt  }
0x3e: {  	_ =	shalt  }
0x3f: {  	_ =	shalt  }
0x40: {  	_ =	shalt  }
0x41: {  	_ =	shalt  }
0x42: {  	_ =	shalt  }
0x43: {  	_ =	shalt  }
0x44: {  	_ =	shalt  }
0x45: {  	_ =	shalt  }
0x46: {  	_ =	shalt  }
0x47: {  	_ =	shalt  }
0x48: {  	_ =	shalt  }
0x49: {  	_ =	shalt  }
0x4a: {  	_ =	shalt  }
0x4b: {  	_ =	shalt  }
0x4c: {  	_ =	shalt  }
0x4d: {  	_ =	shalt  }
0x4e: {  	_ =	shalt  }
0x4f: {  	_ =	shalt  }
0x50: {  	_ =	shalt  }
0x51: {  	_ =	shalt  }
0x52: {  	_ =	shalt  }
0x53: {  	_ =	shalt  }
0x54: {  	_ =	shalt  }
0x55: {  	_ =	shalt  }
0x56: {  	_ =	shalt  }
0x57: {  	_ =	shalt  }
0x58: {  	_ =	shalt  }
0x59: {  	_ =	shalt  }
0x5a: {  	_ =	shalt  }
0x5b: {  	_ =	shalt  }
0x5c: {  	_ =	shalt  }
0x5d: {  	_ =	shalt  }
0x5e: {  	_ =	shalt  }
0x5f: {  	_ =	shalt  }
0x60: {  	_ =	shalt  }
0x61: {  	_ =	shalt  }
0x62: {  	_ =	shalt  }
0x63: {  	_ =	shalt  }
0x64: {  	_ =	shalt  }
0x65: {  	_ =	shalt  }
0x66: {  	_ =	shalt  }
0x67: {  	_ =	shalt  }
0x68: {  	_ =	shalt  }
0x69: {  	_ =	shalt  }
0x6a: {  	_ =	shalt  }
0x6b: {  	_ =	shalt  }
0x6c: {  	_ =	shalt  }
0x6d: {  	_ =	shalt  }
0x6e: {  	_ =	shalt  }
0x6f: {  	_ =	shalt  }
0x70: {  	_ =	shalt  }
0x71: {  	_ =	shalt  }
0x72: {  	_ =	shalt  }
0x73: {  	_ =	shalt  }
0x74: {  	_ =	shalt  }
0x75: {  	_ =	shalt  }
0x76: {  	_ =	shalt  }
0x77: {  	_ =	shalt  }
0x78: {  	_ =	shalt  }
0x79: {  	_ =	shalt  }
0x7a: {  	_ =	shalt  }
0x7b: {  	_ =	shalt  }
0x7c: {  	_ =	shalt  }
0x7d: {  	_ =	shalt  }
0x7e: {  	_ =	shalt  }
0x7f: {  	_ =	shalt  }
0x80: {  	_ =	shalt  }
0x81: {  	_ =	shalt  }
0x82: {  	_ =	shalt  }
0x83: {  	_ =	shalt  }
0x84: {  	_ =	shalt  }
0x85: {  	_ =	shalt  }
0x86: {  	_ =	shalt  }
0x87: {  	_ =	shalt  }
.Lfunc_end0:
.L_simem_size_0:
called_computation_lowered:
.L_overlay_start_0:
0x88: {  	s2 =	sld [smem:$0x3FD9]  }
0x89: {  	s3 =	sld [smem:$0x3FFE];
	_ =	sdelay $0x1  }
0x8a: {  	s1 =	srdreg.scid  }
0x8b: {  	s0 =	sand.u32 $0x1, s1  }
0x8c: {  	s14 =	sshll.u32 s0, $0xA;
	s2 =	sadd.s32 s3, s2  }
0x8d: {  	s2 =	sadd.s32 s2, s14  }
0x8e: {  	[smem:$0x3FBC] =	sst s2  }
0x8f: {  	_ = 	snop  }
0x90: {  	s2 =	sld [smem:$0x3FD0];
	_ =	sdelay $0x2  }
0x91: {  	s4 =	simm.s32 $0xA;
	s5 =	simm.s32 $0x10;
	s15 =	sld [smem:$0x3FC9]  }
0x92: {  	[smem:s5], [sflag:s4] =	dma.local [hbm:s2], $0x1  }
0x93: {  	_ =	swait.eq [sflag:s4], $0x1  }
0x94: {  	[sflag:s4] =	ssyncset.done $0x0  }
0x95: {  	s16 =	sld [smem:$0x10];
	[sflag:s4] =	ssyncadd.s32 $0xFFFFFFFF  }
0x96: {  	s17 =	sld [smem:$0x11];
	(tm) =	ssettm $0x1  }
0x97: {  	s18 =	sld [smem:$0x3FFB];
	_ =	sdelay $0x3  }
0x98: {  	_ =	strace s18  }
0x99: {  	s5 =	sld [smem:$0x3FFC];
	_ =	sdelay $0x3  }
0x9a: {  	_ =	strace s5  }
0x9b: {  	s5 =	sld [smem:$0x3FFD];
	_ =	sdelay $0x3  }
0x9c: {  	_ =	strace s5  }
0x9d: {  	_ =	strace $0x8FFFFFFF  }
0x9e: {  	s19 =	sld [smem:$0x3FDB];
	_ =	sdelay $0x1  }
0x9f: {  	s6 =	simm.s32 $_scs_section_size  }
0xa0: {  	s7 =	simm.s32 $_size__tile_overlayer_lowered;
	s8 =	simm.s32 $_tile_overlayer_lowered  }
0xa1: {  	s22 =	simm.s32 $0x1BFF;
	s21 =	sshll.u32 s8, $0x1;
	s5 =	sadd.s32 s6, s19  }
0xa2: {  	s9 =	simm.s32 $0x0;
	s20 =	sshll.u32 s7, $0x1;
	s7 =	sadd.s32 s21, s5  }
0xa3: {  	[timem:s9], [sflag:s22] =	dma.local [hbm:s7], s20  }
0xa4: {  	_ =	swait.ge [sflag:s22], s20  }
0xa5: {  	s6 =	ssub.s32 $0x0, s20;
	[sflag:s22] =	ssyncset.done $0x0  }
0xa6: {  	[sflag:s22] =	ssyncadd.s32 s6;
	_ =	sdelay $0x1  }
0xa7: {  	s23 =	simm.s32 $0x1B8B  }
0xa8: {  	_ =	swait.ge [sflag:s23], $0x1  }
0xa9: {  	[sflag:s23] =	ssyncset.done $0x0  }
0xaa: {  	s25 =	simm.s32 $0x1B8E;
	s24 =	sld [smem:$0x3FFE];
	[sflag:s23] =	ssyncadd.s32 $0xFFFFFFFF  }
0xab: {  	s26 =	simm.s32 $execute0_lowered;
	[smem:$0x3FD2] =	sst s25  }
0xac: {  	s7 =	sshll.u32 s26, $0x1;
	_ =	strace $0x80000046;
	[dreg:$0x1] =	wrdreg $0xFFFFFFFF  }
0xad: {  	s28 =	simm.s32 $_size_execute0_lowered;
	s5 =	sadd.s32 s5, s7;
	[dreg:$0x0] =	wrdreg $0x0  }
0xae: {  	s7 =	sshll.u32 s28, $0x1;
	[dreg:$0x2] =	wrdreg s5  }
0xaf: {  	[dreg:$0x3] =	wrdreg s7  }
0xb0: {  	[dreg:$0x4] =	wrdreg $0xC0  }
0xb1: {  	_ =	task [dreg:s9], $0x5FFFF  }
0xb2: {  	[dreg:$0x1] =	wrdreg $0xFFFFFFFF  }
0xb3: {  	[dreg:$0x0] =	wrdreg $0x60  }
0xb4: {  	[dreg:$0x2] =	wrdreg s15  }
0xb5: {  	[dreg:$0x3] =	wrdreg s24  }
0xb6: {  	[dreg:$0x4] =	wrdreg s17  }
0xb7: {  	[dreg:$0x5] =	wrdreg s16  }
0xb8: {  	[dreg:$0x6] =	wrdreg $0x121000  }
0xb9: {  	[dreg:$0x7] =	wrdreg $0x1BF000  }
0xba: {  	[dreg:$0x8] =	wrdreg $0x9  }
0xbb: {  	_ =	task.clear_ibuf [dreg:s9], $0x9FFFF;
	_ =	strace $0x90000046  }
0xbc: {  	s29 =	simm.s32 $0x9;
	_ =	strace $0x80000048  }
0xbd: {  	_ =	swait.ge [sflag:s29], $0x1  }
0xbe: {  	[sflag:s29] =	ssyncadd.s32 $0xFFFFFFFF  }
0xbf: {  	_ =	strace $0x90000048  }
0xc0: {  	_ =	sfence  }
0xc1: {  	s30 =	sld [smem:$0x0];
	_ =	sdelay $0x2  }
0xc2: {  	s31 =	sshll.u32 s1, $0xD;
	s1 =	sshrl.u32 s1, $0x2  }
0xc3: {  	s3 =	sand.u32 $0x4000, s31;
	s1 =	sadd.s32 s1, s30  }
0xc4: {  	s0 =	sor.u32 s3, s0;
	s1 =	sshll.u32 s1, $0x11  }
0xc5: {  	s0 =	sor.u32 s1, s0  }
0xc6: {  	s0 =	sadd.s32 $0x8F2B, s0  }
0xc7: {  	[sflag:s0] =	ssyncadd.remote.s32 $0x1  }
0xc8: {  	_ =	sfence.sel $0xFFFF  }
0xc9: {  	[dreg:$0x0] =	wrdreg $0xFFFFFFFF;
	(pc) =	sbr.abs _section_cstart, $3  }
0xca: {  	[dreg:$0x1] =	wrdreg $0xFFFFFFFF  }
0xcb: {  	_ =	task.clear_ibuf [dreg:s9], $0x2FFFF;
	_ =	strace $0x9FFFFFFF  }
0xcc: {  	(tm) =	ssettm $0x7FFFFFFF  }
0xcd: {  	_ =	shalt  }
tec
execute0_lowered:
.L_overlay_start_1:
0x0: {  	(tag) =	ssettag $0x1  }
0x1: {  	s0 =	rddreg [dreg:$0x0]  }
0x2: {  	s1 =	rddreg [dreg:$0x1]  }
0x3: {  	s2 =	rddreg [dreg:$0x2]  }
0x4: {  	s6 =	rddreg [dreg:$0x3]  }
0x5: {  	s4 =	srdreg.scid;
	s3 =	rddreg [dreg:$0x4]  }
0x6: {  	s16 =	stileid.u32;
	s5 =	simm.s32 $0x0;
	s28 =	simm.s32 $0x1  }
0x7: {  	s29 =	simm.s32 $0x2;
	s30 =	simm.s32 $0x3;
	s31 =	simm.s32 $0x4  }
0x8: {  	s7 =	sand.u32 $0x1, s4;
	s4 =	rddreg [dreg:$0x5];
	s11 =	smul.u32 $0x9E00, s16  }
0x9: {  	[smem:$0x7FF] =	sst s5;
	s9 =	sadd.s32 $0x16C00, s1;
	s21 =	smul.u32 $0x9D0, s16  }
0xa: {  	s10 =	sadd.s32 $0x18000, s1;
	s20 =	sadd.s32 $0x18400, s1;
	s13 =	smul.u32 $0x13C0, s16  }
0xb: {  	s26 =	sshll.u32 s16, $0x6;
	_ =	strace $0x80000047;
	[dreg:$0x7] =	wrdreg s9  }
0xc: {  	s8 =	sshll.u32 s7, $0x4;
	s19 =	smul.u32 $0x9E000, s7;
	[dreg:$0x8] =	wrdreg s10  }
0xd: {  	[dreg:$0x9] =	wrdreg s20;
	s12 =	ssub.s32 $0x2, s7;
	s15 =	smul.u32 $0x13C00, s7  }
0xe: {  	s17 =	sor.u32 $0x1C05, s26;
	s20 =	simm.s32 $0x80;
	p0 =	sne.s32 s7, $0x0  }
0xf: {  	p1 =	seq.s32 s7, $0x0;
	s26 =	simm.s32 $0xFD00;
	s8 =	sor.u32 s16, s8  }
0x10: {  	s14 =	sshrl.u32 s12, $0x1;
	s10 =	sadd.s32 s2, s21;
	s22 =	sadd.s32 s11, s3  }
0x11: {  	s24 =	sadd.s32 s13, s4;
	s21 =	simm.s32 $0x9D00;
	s2 =	simm.s32 $0x0  }
0x12: {  	s8 =	smul.u32 $0x9D0, s8;
	s9 =	sadd.s32 s11, s19;
	s14 =	ssub.s32 s12, s14  }
0x13: {  	s23 =	sadd.s32 s13, s15;
	s18 =	sshrl.u32 s22, $0x3;
	s19 =	sshrl.u32 s24, $0x3  }
0x14: {  	s22 =	simm.s32 $0xBD00;
	s24 =	simm.s32 $0xDD00;
	s9 =	sshrl.u32 s9, $0x3  }
0x15: {  	s25 =	sshrl.u32 s23, $0x3;
	s13 =	smax.u32 s14, $0x1;
	s8 =	sadd.s32 s8, s1  }
0x16: {  	s14 =	simm.s32 $0x5;
	s1 =	sadd.s32 s9, s1;
	s8 =	sadd.s32 $0x3200, s8  }
0x17: {  	s12 =	sadd.s32 s6, s25;
	s11 =	sadd.s32 $0x18600, s1;
	[dreg:$0xa] =	wrdreg s8  }
.LBB2_1:
0x18: {  	s1 =	rddreg [dreg:$0xa]  }
0x19: {  	[tilespmem:s5], [sflag:$0x5] =	stream.linear.gather [hbm4b:s1+s5], $0x4E80, $0x38;
	[tilespmem:$0x1D2C0] =	vst v63  }
0x1a: {  	_ =	swait.ge [sflag:s14], $0x4E80  }
0x1b: {  	[sflag:s14] =	ssyncset.done $0x0  }
0x1c: {  	s9 =	simm.s32 $0x4E80;
	[sflag:s14] =	ssyncadd.s32 $0xFFFFB180  }
0x1d: {  	[tilespmem:s9], [sflag:$0x5] =	stream.linear.gather [hbm4b:s10+s5], $0x4E80, $0x38;
	[tilespmem:$0x1D2C0] =	vst v63  }
0x1e: {  	_ =	swait.ge [sflag:s14], $0x4E80  }
0x1f: {  	[sflag:s14] =	ssyncset.done $0x0  }
0x20: {  	s6 =	simm.s32 $0x11D00;
	s15 =	rddreg [dreg:$0x9];
	[sflag:s14] =	ssyncadd.s32 $0xFFFFB180  }
0x21: {  	[tilespmem:s6], [sflag:$0x5] =	stream.linear.gather [hbm4b:s15+s5], $0x400, $0x38;
	[tilespmem:$0x1D2C0] =	vst v63  }
0x22: {  	_ =	swait.ge [sflag:s14], $0x400  }
0x23: {  	[sflag:s14] =	ssyncset.done $0x0  }
0x24: {  	s16 =	rddreg [dreg:$0x7];
	[sflag:s14] =	ssyncadd.s32 $0xFFFFFC00  }
0x25: {  	[spmem:s18], [sflag:s17] =	dma.local [hbm:s16], $0x13C0  }
0x26: {  	_ =	swait.ge [sflag:s14], $0x13C0  }
0x27: {  	[sflag:s14] =	ssyncset.done $0x0  }
0x28: {  	s23 =	rddreg [dreg:$0x8];
	[sflag:s14] =	ssyncadd.s32 $0xFFFFEC40  }
0x29: {  	[spmem:s19], [sflag:s17] =	dma.local [hbm:s23], $0x278  }
0x2a: {  	_ =	swait.ge [sflag:s14], $0x278  }
0x2b: {  	[sflag:s14] =	ssyncset.done $0x0  }
0x2c: {  	[sflag:s14] =	ssyncadd.s32 $0xFFFFFD88  }
0x2d: {  	[bflag:$0x0] =	sbarrier.arrive $0xFFFF  }
0x2e: {  	[tilespmem:s21], [sflag:$0x1] =	stream.indirect.gather [hbm4b:s0+s20], $0x40, s5, s20, $0xb8;
	[tilespmem:$0x1D2C0] =	vst v63  }
0x2f: {  	_ = 	snop  }
0x30: {  	[tilespmem:s22], [sflag:$0x2] =	stream.indirect.gather [hbm4b:s0+s20], $0x40, s20, s20, $0xb8;
	[tilespmem:$0x1D2C0] =	vst v63  }
0x31: {  	s25 =	simm.s32 $0x100  }
0x32: {  	[tilespmem:s24], [sflag:$0x3] =	stream.indirect.gather [hbm4b:s0+s20], $0x40, s25, s20, $0xb8;
	[tilespmem:$0x1D2C0] =	vst v63  }
0x33: {  	s6 =	simm.s32 $0x180  }
0x34: {  	[tilespmem:s26], [sflag:$0x4] =	stream.indirect.gather [hbm4b:s0+s20], $0x40, s6, s20, $0xb8;
	[tilespmem:$0x1D2C0] =	vst v63  }
0x35: {  	_ =	swait.ge [sflag:s28], $0x2000  }
0x36: {  	[sflag:s28] =	ssyncset.done $0x0  }
0x37: {  	s1 =	simm.s32 $0x4E80;
	[sflag:s28] =	ssyncadd.s32 $0xFFFFE000  }
0x38: {  	[spmem:s3] =	stream.indirect.scatter.add.f32 [tilespmem:s21], [sflag:$0x5], $0x40, s1, s20, $0xb8;
	[tilespmem:$0x1D2C0] =	vst v63  }
0x39: {  	_ =	swait.ge [sflag:s14], $0x2000  }
0x3a: {  	s15 =	simm.s32 @!p0 $0x5;
	[sflag:s14] =	ssyncset.done $0x0  }
0x3b: {  	s16 =	simm.s32 @!p0 $0x80;
	s23 =	simm.s32 @!p0 $0x11D00;
	[sflag:s14] =	ssyncadd.s32 $0xFFFFE000  }
0x3c: {  	[spmem:s4] =	stream.indirect.scatter.add.f32 @!p0 [tilespmem:s23], [sflag:$0x5], $0x8, s1, s16, $0xb8;
	[tilespmem:$0x1D2C0] =	vst v63  }
0x3d: {  	_ =	swait.ge @!p0 [sflag:s15], $0x400  }
0x3e: {  	[sflag:s15] =	ssyncset.done @!p0 $0x0  }
0x3f: {  	s7 =	simm.s32 $0x200;
	[sflag:s15] =	ssyncadd.s32 @!p0 $0xFFFFFC00  }
0x40: {  	[tilespmem:s21], [sflag:$0x1] =	stream.indirect.gather [hbm4b:s0+s20], $0x40, s7, s20, $0xb8;
	[tilespmem:$0x1D2C0] =	vst v63  }
0x41: {  	_ =	swait.ge [sflag:s29], $0x2000  }
0x42: {  	[sflag:s29] =	ssyncset.done $0x0  }
0x43: {  	s7 =	simm.s32 $0x4F00;
	[sflag:s29] =	ssyncadd.s32 $0xFFFFE000  }
0x44: {  	[spmem:s3] =	stream.indirect.scatter.add.f32 [tilespmem:s22], [sflag:$0x5], $0x40, s7, s20, $0xb8;
	[tilespmem:$0x1D2C0] =	vst v63  }
0x45: {  	_ =	swait.ge [sflag:s14], $0x2000  }
0x46: {  	s25 =	simm.s32 @!p1 $0x5;
	[sflag:s14] =	ssyncset.done $0x0  }
0x47: {  	s6 =	simm.s32 @!p1 $0x11D00;
	s1 =	simm.s32 @!p1 $0x80;
	[sflag:s14] =	ssyncadd.s32 $0xFFFFE000  }
0x48: {  	[spmem:s4] =	stream.indirect.scatter.add.f32 @!p1 [tilespmem:s6], [sflag:$0x5], $0x8, s7, s1, $0xb8;
	[tilespmem:$0x1D2C0] =	vst v63  }
0x49: {  	_ =	swait.ge @!p1 [sflag:s25], $0x400  }
0x4a: {  	[sflag:s25] =	ssyncset.done @!p1 $0x0  }
0x4b: {  	s8 =	simm.s32 $0x280;
	[sflag:s25] =	ssyncadd.s32 @!p1 $0xFFFFFC00  }
0x4c: {  	[tilespmem:s22], [sflag:$0x2] =	stream.indirect.gather [hbm4b:s0+s20], $0x40, s8, s20, $0xb8;
	[tilespmem:$0x1D2C0] =	vst v63  }
0x4d: {  	_ =	swait.ge [sflag:s30], $0x2000  }
0x4e: {  	[sflag:s30] =	ssyncset.done $0x0  }
0x4f: {  	s7 =	simm.s32 $0x4F80;
	[sflag:s30] =	ssyncadd.s32 $0xFFFFE000  }
0x50: {  	[spmem:s3] =	stream.indirect.scatter.add.f32 [tilespmem:s24], [sflag:$0x5], $0x40, s7, s20, $0xb8;
	[tilespmem:$0x1D2C0] =	vst v63  }
0x51: {  	_ =	swait.ge [sflag:s14], $0x2000  }
0x52: {  	[sflag:s14] =	ssyncset.done $0x0  }
0x53: {  	[sflag:s14] =	ssyncadd.s32 $0xFFFFE000  }
0x54: {  	[spmem:s4] =	stream.indirect.scatter.add.f32 @!p0 [tilespmem:s23], [sflag:$0x5], $0x8, s7, s16, $0xb8;
	[tilespmem:$0x1D2C0] =	vst v63  }
0x55: {  	_ =	swait.ge @!p0 [sflag:s15], $0x400  }
0x56: {  	[sflag:s15] =	ssyncset.done @!p0 $0x0  }
0x57: {  	s9 =	simm.s32 $0x300;
	[sflag:s15] =	ssyncadd.s32 @!p0 $0xFFFFFC00  }
0x58: {  	[tilespmem:s24], [sflag:$0x3] =	stream.indirect.gather [hbm4b:s0+s20], $0x40, s9, s20, $0xb8;
	[tilespmem:$0x1D2C0] =	vst v63  }
0x59: {  	_ =	swait.ge [sflag:s31], $0x2000  }
0x5a: {  	[sflag:s31] =	ssyncset.done $0x0  }
0x5b: {  	s7 =	simm.s32 $0x5000;
	[sflag:s31] =	ssyncadd.s32 $0xFFFFE000  }
0x5c: {  	[spmem:s3] =	stream.indirect.scatter.add.f32 [tilespmem:s26], [sflag:$0x5], $0x40, s7, s20, $0xb8;
	[tilespmem:$0x1D2C0] =	vst v63  }
0x5d: {  	_ =	swait.ge [sflag:s14], $0x2000  }
0x5e: {  	[sflag:s14] =	ssyncset.done $0x0  }
0x5f: {  	[sflag:s14] =	ssyncadd.s32 $0xFFFFE000  }
0x60: {  	[spmem:s4] =	stream.indirect.scatter.add.f32 @!p1 [tilespmem:s6], [sflag:$0x5], $0x8, s7, s1, $0xb8;
	[tilespmem:$0x1D2C0] =	vst v63  }
0x61: {  	_ =	swait.ge @!p1 [sflag:s25], $0x400  }
0x62: {  	[sflag:s25] =	ssyncset.done @!p1 $0x0  }
0x63: {  	s8 =	simm.s32 $0x380;
	s7 =	simm.s32 $0x800;
	[sflag:s25] =	ssyncadd.s32 @!p1 $0xFFFFFC00  }
.LBB2_2:
0x64: {  	[tilespmem:s26], [sflag:$0x4] =	stream.indirect.gather [hbm4b:s0+s20], $0x40, s8, s20, $0xb8;
	[tilespmem:$0x1D2C0] =	vst v63  }
0x65: {  	s8 =	smov.u32 s7;
	s7 =	sadd.s32 $0x800, s7;
	_ =	swait.ge [sflag:s28], $0x2000  }
0x66: {  	s8 =	sshra.s32 s8, $0x2;
	p2 =	sne.s32 s7, $0x13000;
	[sflag:s28] =	ssyncset.done $0x0  }
0x67: {  	s9 =	sadd.s32 $0x4E80, s8;
	[sflag:s28] =	ssyncadd.s32 $0xFFFFE000  }
0x68: {  	[spmem:s3] =	stream.indirect.scatter.add.f32 [tilespmem:s21], [sflag:$0x5], $0x40, s9, s20, $0xb8;
	[tilespmem:$0x1D2C0] =	vst v63  }
0x69: {  	_ =	swait.ge [sflag:s14], $0x2000  }
0x6a: {  	[sflag:s14] =	ssyncset.done $0x0  }
0x6b: {  	[sflag:s14] =	ssyncadd.s32 $0xFFFFE000  }
0x6c: {  	[spmem:s4] =	stream.indirect.scatter.add.f32 @!p0 [tilespmem:s23], [sflag:$0x5], $0x8, s9, s16, $0xb8;
	[tilespmem:$0x1D2C0] =	vst v63  }
0x6d: {  	_ =	swait.ge @!p0 [sflag:s15], $0x400  }
0x6e: {  	[sflag:s15] =	ssyncset.done @!p0 $0x0  }
0x6f: {  	s9 =	sadd.s32 $0x200, s8;
	[sflag:s15] =	ssyncadd.s32 @!p0 $0xFFFFFC00  }
0x70: {  	[tilespmem:s21], [sflag:$0x1] =	stream.indirect.gather [hbm4b:s0+s20], $0x40, s9, s20, $0xb8;
	[tilespmem:$0x1D2C0] =	vst v63  }
0x71: {  	_ =	swait.ge [sflag:s29], $0x2000  }
0x72: {  	[sflag:s29] =	ssyncset.done $0x0  }
0x73: {  	s9 =	sadd.s32 $0x4F00, s8;
	[sflag:s29] =	ssyncadd.s32 $0xFFFFE000  }
0x74: {  	[spmem:s3] =	stream.indirect.scatter.add.f32 [tilespmem:s22], [sflag:$0x5], $0x40, s9, s20, $0xb8;
	[tilespmem:$0x1D2C0] =	vst v63  }
0x75: {  	_ =	swait.ge [sflag:s14], $0x2000  }
0x76: {  	[sflag:s14] =	ssyncset.done $0x0  }
0x77: {  	[sflag:s14] =	ssyncadd.s32 $0xFFFFE000  }
0x78: {  	[spmem:s4] =	stream.indirect.scatter.add.f32 @!p1 [tilespmem:s6], [sflag:$0x5], $0x8, s9, s1, $0xb8;
	[tilespmem:$0x1D2C0] =	vst v63  }
0x79: {  	_ =	swait.ge @!p1 [sflag:s25], $0x400  }
0x7a: {  	[sflag:s25] =	ssyncset.done @!p1 $0x0  }
0x7b: {  	s9 =	sadd.s32 $0x280, s8;
	[sflag:s25] =	ssyncadd.s32 @!p1 $0xFFFFFC00  }
0x7c: {  	[tilespmem:s22], [sflag:$0x2] =	stream.indirect.gather [hbm4b:s0+s20], $0x40, s9, s20, $0xb8;
	[tilespmem:$0x1D2C0] =	vst v63  }
0x7d: {  	_ =	swait.ge [sflag:s30], $0x2000  }
0x7e: {  	[sflag:s30] =	ssyncset.done $0x0  }
0x7f: {  	s9 =	sadd.s32 $0x4F80, s8;
	[sflag:s30] =	ssyncadd.s32 $0xFFFFE000  }
0x80: {  	[spmem:s3] =	stream.indirect.scatter.add.f32 [tilespmem:s24], [sflag:$0x5], $0x40, s9, s20, $0xb8;
	[tilespmem:$0x1D2C0] =	vst v63  }
0x81: {  	_ =	swait.ge [sflag:s14], $0x2000  }
0x82: {  	[sflag:s14] =	ssyncset.done $0x0  }
0x83: {  	[sflag:s14] =	ssyncadd.s32 $0xFFFFE000  }
0x84: {  	[spmem:s4] =	stream.indirect.scatter.add.f32 @!p0 [tilespmem:s23], [sflag:$0x5], $0x8, s9, s16, $0xb8;
	[tilespmem:$0x1D2C0] =	vst v63  }
0x85: {  	_ =	swait.ge @!p0 [sflag:s15], $0x400  }
0x86: {  	[sflag:s15] =	ssyncset.done @!p0 $0x0  }
0x87: {  	s9 =	sadd.s32 $0x300, s8;
	[sflag:s15] =	ssyncadd.s32 @!p0 $0xFFFFFC00  }
0x88: {  	[tilespmem:s24], [sflag:$0x3] =	stream.indirect.gather [hbm4b:s0+s20], $0x40, s9, s20, $0xb8;
	[tilespmem:$0x1D2C0] =	vst v63  }
0x89: {  	_ =	swait.ge [sflag:s31], $0x2000  }
0x8a: {  	[sflag:s31] =	ssyncset.done $0x0  }
0x8b: {  	s9 =	sadd.s32 $0x5000, s8;
	[sflag:s31] =	ssyncadd.s32 $0xFFFFE000  }
0x8c: {  	[spmem:s3] =	stream.indirect.scatter.add.f32 [tilespmem:s26], [sflag:$0x5], $0x40, s9, s20, $0xb8;
	[tilespmem:$0x1D2C0] =	vst v63  }
0x8d: {  	_ =	swait.ge [sflag:s14], $0x2000  }
0x8e: {  	[sflag:s14] =	ssyncset.done $0x0  }
.Ltmp0:
0x8f: {  	[sflag:s14] =	ssyncadd.s32 $0xFFFFE000;
	(pc) =	sbr.rel @p2 .LBB2_2-.Ltmp0, $4  }
0x90: {  	[spmem:s4] =	stream.indirect.scatter.add.f32 @!p1 [tilespmem:s6], [sflag:$0x5], $0x8, s9, s1, $0xb8;
	[tilespmem:$0x1D2C0] =	vst v63  }
0x91: {  	_ =	swait.ge @!p1 [sflag:s25], $0x400  }
0x92: {  	[sflag:s25] =	ssyncset.done @!p1 $0x0  }
0x93: {  	s8 =	sadd.s32 $0x380, s8;
	[sflag:s25] =	ssyncadd.s32 @!p1 $0xFFFFFC00  }
0x94: {  	[tilespmem:s26], [sflag:$0x4] =	stream.indirect.gather [hbm4b:s0+s20], $0x40, s8, s20, $0xb8;
	[tilespmem:$0x1D2C0] =	vst v63  }
0x95: {  	_ =	swait.ge [sflag:s28], $0x2000  }
0x96: {  	[sflag:s28] =	ssyncset.done $0x0  }
0x97: {  	s1 =	simm.s32 $0x9A80;
	[sflag:s28] =	ssyncadd.s32 $0xFFFFE000  }
0x98: {  	[spmem:s3] =	stream.indirect.scatter.add.f32 [tilespmem:s21], [sflag:$0x5], $0x40, s1, s20, $0xb8;
	[tilespmem:$0x1D2C0] =	vst v63  }
0x99: {  	_ =	swait.ge [sflag:s14], $0x2000  }
0x9a: {  	[sflag:s14] =	ssyncset.done $0x0  }
0x9b: {  	s1 =	simm.s32 @p0 $0x2;
	[sflag:s14] =	ssyncadd.s32 $0xFFFFE000  }
0x9c: {  	_ =	swait.ge @p0 [sflag:s1], $0x2000  }
0x9d: {  	s6 =	simm.s32 @p0 $0x9B00;
	[sflag:s1] =	ssyncset.done @p0 $0x0  }
0x9e: {  	s7 =	simm.s32 @p0 $0xBD00;
	[sflag:s1] =	ssyncadd.s32 @p0 $0xFFFFE000;
	s1 =	simm.s32 @p0 $0x80  }
0x9f: {  	[spmem:s3] =	stream.indirect.scatter.add.f32 @p0 [tilespmem:s7], [sflag:$0x5], $0x40, s6, s1, $0xb8;
	[tilespmem:$0x1D2C0] =	vst v63  }
0xa0: {  	s7 =	simm.s32 @p0 $0x5  }
0xa1: {  	_ =	swait.ge @p0 [sflag:s7], $0x2000  }
0xa2: {  	[sflag:s7] =	ssyncset.done @p0 $0x0  }
0xa3: {  	s8 =	simm.s32 @p0 $0x11D00;
	[sflag:s7] =	ssyncadd.s32 @p0 $0xFFFFE000  }
0xa4: {  	[spmem:s4] =	stream.indirect.scatter.add.f32 @p0 [tilespmem:s8], [sflag:$0x5], $0x8, s6, s1, $0xb8;
	[tilespmem:$0x1D2C0] =	vst v63  }
0xa5: {  	_ =	swait.ge @p0 [sflag:s7], $0x400  }
0xa6: {  	[sflag:s7] =	ssyncset.done @p0 $0x0  }
0xa7: {  	s6 =	simm.s32 @p0 $0x3;
	[sflag:s7] =	ssyncadd.s32 @p0 $0xFFFFFC00  }
0xa8: {  	_ =	swait.ge @p0 [sflag:s6], $0x2000  }
0xa9: {  	[sflag:s6] =	ssyncset.done @p0 $0x0  }
0xaa: {  	s9 =	simm.s32 @p0 $0xDD00;
	[sflag:s6] =	ssyncadd.s32 @p0 $0xFFFFE000;
	s6 =	simm.s32 @p0 $0x9B80  }
0xab: {  	[spmem:s3] =	stream.indirect.scatter.add.f32 @p0 [tilespmem:s9], [sflag:$0x5], $0x40, s6, s1, $0xb8;
	[tilespmem:$0x1D2C0] =	vst v63  }
0xac: {  	_ =	swait.ge @p0 [sflag:s7], $0x2000  }
0xad: {  	[sflag:s7] =	ssyncset.done @p0 $0x0  }
0xae: {  	s6 =	simm.s32 @p0 $0x4;
	[sflag:s7] =	ssyncadd.s32 @p0 $0xFFFFE000  }
0xaf: {  	_ =	swait.ge @p0 [sflag:s6], $0x2000  }
0xb0: {  	[sflag:s6] =	ssyncset.done @p0 $0x0  }
0xb1: {  	s9 =	simm.s32 @p0 $0xFD00;
	[sflag:s6] =	ssyncadd.s32 @p0 $0xFFFFE000;
	s6 =	simm.s32 @p0 $0x9C00  }
0xb2: {  	[spmem:s3] =	stream.indirect.scatter.add.f32 @p0 [tilespmem:s9], [sflag:$0x5], $0x40, s6, s1, $0xb8;
	[tilespmem:$0x1D2C0] =	vst v63  }
0xb3: {  	_ =	swait.ge @p0 [sflag:s7], $0x2000  }
0xb4: {  	[sflag:s7] =	ssyncset.done @p0 $0x0  }
0xb5: {  	[sflag:s7] =	ssyncadd.s32 @p0 $0xFFFFE000  }
0xb6: {  	[spmem:s4] =	stream.indirect.scatter.add.f32 @p0 [tilespmem:s8], [sflag:$0x5], $0x8, s6, s1, $0xb8;
	[tilespmem:$0x1D2C0] =	vst v63  }
0xb7: {  	_ =	swait.ge @p0 [sflag:s7], $0x400  }
0xb8: {  	[sflag:s7] =	ssyncset.done @p0 $0x0  }
0xb9: {  	s6 =	simm.s32 @p0 $0x4E00;
	s8 =	simm.s32 @p0 $0x9D00;
	[sflag:s7] =	ssyncadd.s32 @p0 $0xFFFFFC00  }
0xba: {  	[tilespmem:s8], [sflag:$0x1] =	stream.indirect.gather @p0 [hbm4b:s0+s1], $0x40, s6, s1, $0xb8;
	[tilespmem:$0x1D2C0] =	vst v63  }
0xbb: {  	s6 =	simm.s32 @p0 $0x1  }
0xbc: {  	_ =	swait.ge @p0 [sflag:s6], $0x2000  }
0xbd: {  	[sflag:s6] =	ssyncset.done @p0 $0x0  }
0xbe: {  	[sflag:s6] =	ssyncadd.s32 @p0 $0xFFFFE000;
	s6 =	simm.s32 @p0 $0x9C80  }
0xbf: {  	[spmem:s3] =	stream.indirect.scatter.add.f32 @p0 [tilespmem:s8], [sflag:$0x5], $0x40, s6, s1, $0xb8;
	[tilespmem:$0x1D2C0] =	vst v63  }
0xc0: {  	_ =	swait.ge @p0 [sflag:s7], $0x2000  }
0xc1: {  	[sflag:s7] =	ssyncset.done @p0 $0x0  }
0xc2: {  	s1 =	simm.s32 @!p0 $0x9A80;
	[sflag:s7] =	ssyncadd.s32 @p0 $0xFFFFE000  }
0xc3: {  	[spmem:s4] =	stream.indirect.scatter.add.f32 @!p0 [tilespmem:s23], [sflag:$0x5], $0x8, s1, s16, $0xb8;
	[tilespmem:$0x1D2C0] =	vst v63  }
0xc4: {  	_ =	swait.ge @!p0 [sflag:s15], $0x400  }
0xc5: {  	[sflag:s15] =	ssyncset.done @!p0 $0x0  }
0xc6: {  	s1 =	simm.s32 @!p0 $0x2;
	[sflag:s15] =	ssyncadd.s32 @!p0 $0xFFFFFC00  }
0xc7: {  	_ =	swait.ge @!p0 [sflag:s1], $0x2000  }
0xc8: {  	[sflag:s1] =	ssyncset.done @!p0 $0x0  }
0xc9: {  	s6 =	simm.s32 @!p0 $0xBD00;
	[sflag:s1] =	ssyncadd.s32 @!p0 $0xFFFFE000;
	s1 =	simm.s32 @!p0 $0x9B00  }
0xca: {  	[spmem:s3] =	stream.indirect.scatter.add.f32 @!p0 [tilespmem:s6], [sflag:$0x5], $0x40, s1, s16, $0xb8;
	[tilespmem:$0x1D2C0] =	vst v63  }
0xcb: {  	_ =	swait.ge @!p0 [sflag:s15], $0x2000  }
0xcc: {  	[sflag:s15] =	ssyncset.done @!p0 $0x0  }
0xcd: {  	s1 =	simm.s32 @!p0 $0x3;
	[sflag:s15] =	ssyncadd.s32 @!p0 $0xFFFFE000  }
0xce: {  	_ =	swait.ge @!p0 [sflag:s1], $0x2000  }
0xcf: {  	[sflag:s1] =	ssyncset.done @!p0 $0x0  }
0xd0: {  	s6 =	simm.s32 @!p0 $0xDD00;
	[sflag:s1] =	ssyncadd.s32 @!p0 $0xFFFFE000;
	s1 =	simm.s32 @!p0 $0x9B80  }
0xd1: {  	[spmem:s3] =	stream.indirect.scatter.add.f32 @!p0 [tilespmem:s6], [sflag:$0x5], $0x40, s1, s16, $0xb8;
	[tilespmem:$0x1D2C0] =	vst v63  }
0xd2: {  	_ =	swait.ge @!p0 [sflag:s15], $0x2000  }
0xd3: {  	[sflag:s15] =	ssyncset.done @!p0 $0x0  }
0xd4: {  	[sflag:s15] =	ssyncadd.s32 @!p0 $0xFFFFE000  }
0xd5: {  	[spmem:s4] =	stream.indirect.scatter.add.f32 @!p0 [tilespmem:s23], [sflag:$0x5], $0x8, s1, s16, $0xb8;
	[tilespmem:$0x1D2C0] =	vst v63  }
0xd6: {  	_ =	swait.ge @!p0 [sflag:s15], $0x400  }
0xd7: {  	[sflag:s15] =	ssyncset.done @!p0 $0x0  }
0xd8: {  	s1 =	simm.s32 @!p0 $0x4;
	[sflag:s15] =	ssyncadd.s32 @!p0 $0xFFFFFC00  }
0xd9: {  	_ =	swait.ge @!p0 [sflag:s1], $0x2000  }
0xda: {  	[sflag:s1] =	ssyncset.done @!p0 $0x0  }
0xdb: {  	s6 =	simm.s32 @!p0 $0xFD00;
	[sflag:s1] =	ssyncadd.s32 @!p0 $0xFFFFE000;
	s1 =	simm.s32 @!p0 $0x9C00  }
0xdc: {  	[spmem:s3] =	stream.indirect.scatter.add.f32 @!p0 [tilespmem:s6], [sflag:$0x5], $0x40, s1, s16, $0xb8;
	[tilespmem:$0x1D2C0] =	vst v63  }
0xdd: {  	_ =	swait.ge @!p0 [sflag:s15], $0x2000  }
0xde: {  	[sflag:s15] =	ssyncset.done @!p0 $0x0  }
0xdf: {  	s1 =	simm.s32 @!p0 $0x4E00;
	s6 =	simm.s32 @!p0 $0x9D00;
	[sflag:s15] =	ssyncadd.s32 @!p0 $0xFFFFE000  }
0xe0: {  	[tilespmem:s6], [sflag:$0x1] =	stream.indirect.gather @!p0 [hbm4b:s0+s16], $0x40, s1, s16, $0xb8;
	[tilespmem:$0x1D2C0] =	vst v63  }
0xe1: {  	s1 =	simm.s32 @!p0 $0x1  }
0xe2: {  	_ =	swait.ge @!p0 [sflag:s1], $0x2000  }
0xe3: {  	[sflag:s1] =	ssyncset.done @!p0 $0x0  }
0xe4: {  	[sflag:s1] =	ssyncadd.s32 @!p0 $0xFFFFE000;
	s1 =	simm.s32 @!p0 $0x9C80  }
0xe5: {  	[spmem:s3] =	stream.indirect.scatter.add.f32 @!p0 [tilespmem:s6], [sflag:$0x5], $0x40, s1, s16, $0xb8;
	[tilespmem:$0x1D2C0] =	vst v63  }
0xe6: {  	_ =	swait.ge @!p0 [sflag:s15], $0x2000  }
0xe7: {  	[sflag:s15] =	ssyncset.done @!p0 $0x0  }
0xe8: {  	[sflag:s15] =	ssyncadd.s32 @!p0 $0xFFFFE000  }
0xe9: {  	[spmem:s4] =	stream.indirect.scatter.add.f32 @!p0 [tilespmem:s23], [sflag:$0x5], $0x8, s1, s16, $0xb8;
	[tilespmem:$0x1D2C0] =	vst v63  }
0xea: {  	_ =	swait.ge @!p0 [sflag:s15], $0x400  }
0xeb: {  	[sflag:s15] =	ssyncset.done @!p0 $0x0  }
0xec: {  	[sflag:s15] =	ssyncadd.s32 @!p0 $0xFFFFFC00  }
0xed: {  	[bflag:$0x0] =	sbarrier.arrive $0xFFFF  }
0xee: {  	[hbm:s11], [sflag:s17] =	dma.local [spmem:s18], $0x13C0  }
0xef: {  	s2 =	sadd.s32 $0x1, s2;
	_ =	swait.ge [sflag:s14], $0x13C0  }
0xf0: {  	p2 =	sne.s32 s2, s13;
	[sflag:s14] =	ssyncset.done $0x0  }
.Ltmp1:
0xf1: {  	[sflag:s14] =	ssyncadd.s32 $0xFFFFEC40;
	(pc) =	sbr.rel @p2 .LBB2_1-.Ltmp1, $4  }
0xf2: {  	[hbm:s12], [sflag:s17] =	dma.local [spmem:s19], $0x278  }
0xf3: {  	_ =	swait.ge [sflag:s14], $0x278  }
0xf4: {  	[sflag:s14] =	ssyncset.done $0x0  }
0xf5: {  	[sflag:s14] =	ssyncadd.s32 $0xFFFFFD88  }
0xf6: {  	_ =	sfence.sel $0x180000  }
0xf7: {  	[bflag:$0x0] =	sbarrier.arrive $0xFFFF  }
0xf8: {  	_ =	strace $0x90000047  }
0xf9: {  	s0 =	stileid.u32;
	[bflag:$0x2] =	sbarrier.arrive $0xFFFF  }
0xfa: {  	p0 =	sne.s32 s0, $0x0;
	s0 =	rddreg [dreg:$0x6]  }
0xfb: {  	s0 =	sadd.s32 @!p0 $0x100000, s0  }
0xfc: {  	[sflag:s0] =	ssyncadd.tile.s32 @!p0 $0x1;
	_ =	shalt  }
.Lfunc_end2:
_tile_overlayer_lowered:
.L_overlay_start_2:
0xfd: {  	(tag) =	ssettag $0x2  }
0xfe: {  	s0 =	rddreg [dreg:$0x0];
	s2 =	stileid.u32  }
0xff: {  	s1 =	rddreg [dreg:$0x1];
	p0 =	sne.s32 s2, $0x0  }
0x100: {  	s3 =	rddreg [dreg:$0x2];
	[bflag:$0x3] =	sbarrier.arrive $0xFFFF;
	s2 =	simm.s32 @!p0 $0x1C05  }
0x101: {  	[timem:s3], [sflag:s2] =	dma.local @!p0 [hbm:s0], s1  }
0x102: {  	s0 =	simm.s32 @!p0 $0x5  }
0x103: {  	_ =	swait.ge @!p0 [sflag:s0], s1  }
0x104: {  	s1 =	ssub.s32 @!p0 $0x0, s1;
	[sflag:s0] =	ssyncset.done @!p0 $0x0  }
0x105: {  	[sflag:s0] =	ssyncadd.s32 @!p0 s1  }
0x106: {  	[bflag:$0x3] =	sbarrier.arrive $0xFFFF  }
0x107: {  	_ =	shalt  }

// kernel: kernel.9.cloned.1.call-start
scs
__scs_entry_jumppad:
0x0: {  	(pc) =	sbr.rel $0x88, $3  }
0x1: {  	(tag) =	ssettag $0x0;
	lr =	simm.s32 $0x1  }
0x2: {  	[smem:$0x3F95] =	sst lr;
	_ =	strace $0xD0000000  }
0x3: {  	_ = 	snop  }
0x4: {  	_ = 	snop  }
0x5: {  	_ = 	snop  }
0x6: {  	_ = 	snop  }
0x7: {  	_ = 	snop  }
__scs_overlays_trampoline_lowered:
0x8: {  	[smem:$0x3FA4] =	sst s0  }
0x9: {  	[smem:$0x3FA5] =	sst s1  }
0xa: {  	[smem:$0x3FA6] =	sst s2  }
0xb: {  	[smem:$0x3FA7] =	sst s3  }
0xc: {  	[smem:$0x3FA8] =	sst s4  }
0xd: {  	[smem:$0x3FA9] =	sst s5  }
0xe: {  	[smem:$0x3FAA] =	sst s6  }
0xf: {  	[smem:$0x3FAB] =	sst s7  }
0x10: {  	[smem:$0x3FAC] =	sst s8  }
0x11: {  	[smem:$0x3FAD] =	sst s9;
	s0 =	simm.s32 @!p0 $0x0  }
0x12: {  	s1 =	sld [smem:$0x3F93];
	s0 =	simm.s32 @p0 $0x1  }
0x13: {  	[smem:$0x3FAE] =	sst s0;
	s0 =	simm.s32 @!p1 $0x0  }
0x14: {  	s2 =	sld [smem:$0x3F92];
	s0 =	simm.s32 @p1 $0x1  }
0x15: {  	[smem:$0x3FAF] =	sst s0;
	s0 =	simm.s32 @!p2 $0x0  }
0x16: {  	s3 =	sld [smem:$0x3FDB];
	s0 =	simm.s32 @p2 $0x1  }
0x17: {  	s4 =	simm.s32 $0x1BF5;
	[smem:$0x3FB1] =	sst s0  }
0x18: {  	s0 =	sld [smem:$0x3F94];
	_ =	swait.ge [sflag:s4], $0x0  }
0x19: {  	s7 =	sld [smem:$0x3F95]  }
0x1a: {  	s8 =	sadd.s32 $0xFFFFE003, lr  }
0x1b: {  	s9 =	sadd.s32 $0xFFFFFEF7, lr;
	s5 =	simm.s32 $0xFFFFFFFF;
	p2 =	slt.u32 s8, $0xFFFFF086  }
0x1c: {  	p1 =	slt.u32 s9, $0xF7A;
	s5 =	simm.s32 @!p2 $0x0  }
0x1d: {  	s5 =	simm.s32 @p1 $0x1;
	p0 =	seq.s32 s7, s2  }
0x1e: {  	s7 =	smul.u32 @!p0 $0xF7A, s2;
	p2 =	seq.s32 @!p0 s5, $0x0  }
0x1f: {  	s9 =	smul.u32 $0xF7A, s1;
	s8 =	simm.s32 @!p0 $0x1BF5;
	p2 =	por !p2, p0  }
0x20: {  	[sflag:s8] =	ssyncset.s32 @!p0 $0xFFFFF086;
	s6 =	sadd.s32 @!p0 s3, s7;
	s7 =	simm.s32 @!p0 $0x108  }
0x21: {  	s3 =	sadd.s32 s3, s9;
	s6 =	sadd.s32 @!p0 $0x88, s6;
	s7 =	simm.s32 @p2 $0x1082  }
0x22: {  	[simem:s7], [sflag:s8] =	dma.local @!p0 [hbm:s6], $0xF7A  }
0x23: {  	s9 =	sor.u32 $0xD0000000, s2;
	s6 =	simm.s32 $0x108;
	_ =	swait.ge @!p0 [sflag:s8], $0x0  }
0x24: {  	s3 =	sadd.s32 $0x88, s3;
	s6 =	simm.s32 @!p1 $0x1082;
	[sflag:s4] =	ssyncset.s32 $0xFFFFF086  }
0x25: {  	[simem:s6], [sflag:s4] =	dma.local [hbm:s3], $0xF7A  }
0x26: {  	[smem:$0x3F95] =	sst s1;
	(tag) =	ssettag s2;
	_ =	strace s9  }
0x27: {  	s1 =	sld [smem:$0x3FA5]  }
0x28: {  	s2 =	sld [smem:$0x3FA6]  }
0x29: {  	s4 =	sld [smem:$0x3FA8]  }
0x2a: {  	p0 =	seq.s32 s5, $0x0;
	s5 =	sld [smem:$0x3FA9]  }
0x2b: {  	s6 =	sld [smem:$0x3FAA]  }
0x2c: {  	s7 =	sld [smem:$0x3FAB]  }
0x2d: {  	s3 =	simm.s32 $0x108;
	s8 =	sld [smem:$0x3FAC]  }
0x2e: {  	s3 =	simm.s32 @!p0 $0x1082;
	s9 =	sld [smem:$0x3FAD]  }
0x2f: {  	lr =	sadd.s32 s0, s3;
	s0 =	sld [smem:$0x3FA4]  }
0x30: {  	s3 =	sld [smem:$0x3FA7]  }
0x31: {  	[smem:$0x3FB0] =	sst s10  }
0x32: {  	s10 =	sld [smem:$0x3FAE];
	_ =	sdelay $0x3  }
0x33: {  	p0 =	seq.s32 s10, $0x1;
	s10 =	sld [smem:$0x3FB0];
	_ =	sdelay $0x3  }
0x34: {  	[smem:$0x3FB0] =	sst s10  }
0x35: {  	s10 =	sld [smem:$0x3FAF];
	_ =	sdelay $0x3  }
0x36: {  	p1 =	seq.s32 s10, $0x1;
	s10 =	sld [smem:$0x3FB0];
	_ =	sdelay $0x3  }
0x37: {  	[smem:$0x3FB0] =	sst s10  }
0x38: {  	s10 =	sld [smem:$0x3FB1]  }
0x39: {  	_ = 	snop;
	(pc) =	sbr.ind lr, $3  }
0x3a: {  	_ = 	snop  }
0x3b: {  	_ = 	snop  }
0x3c: {  	p2 =	seq.s32 s10, $0x1;
	s10 =	sld [smem:$0x3FB0]  }
0x3d: {  	_ =	shalt  }
0x3e: {  	_ =	shalt  }
0x3f: {  	_ =	shalt  }
0x40: {  	_ =	shalt  }
0x41: {  	_ =	shalt  }
0x42: {  	_ =	shalt  }
0x43: {  	_ =	shalt  }
0x44: {  	_ =	shalt  }
0x45: {  	_ =	shalt  }
0x46: {  	_ =	shalt  }
0x47: {  	_ =	shalt  }
0x48: {  	_ =	shalt  }
0x49: {  	_ =	shalt  }
0x4a: {  	_ =	shalt  }
0x4b: {  	_ =	shalt  }
0x4c: {  	_ =	shalt  }
0x4d: {  	_ =	shalt  }
0x4e: {  	_ =	shalt  }
0x4f: {  	_ =	shalt  }
0x50: {  	_ =	shalt  }
0x51: {  	_ =	shalt  }
0x52: {  	_ =	shalt  }
0x53: {  	_ =	shalt  }
0x54: {  	_ =	shalt  }
0x55: {  	_ =	shalt  }
0x56: {  	_ =	shalt  }
0x57: {  	_ =	shalt  }
0x58: {  	_ =	shalt  }
0x59: {  	_ =	shalt  }
0x5a: {  	_ =	shalt  }
0x5b: {  	_ =	shalt  }
0x5c: {  	_ =	shalt  }
0x5d: {  	_ =	shalt  }
0x5e: {  	_ =	shalt  }
0x5f: {  	_ =	shalt  }
0x60: {  	_ =	shalt  }
0x61: {  	_ =	shalt  }
0x62: {  	_ =	shalt  }
0x63: {  	_ =	shalt  }
0x64: {  	_ =	shalt  }
0x65: {  	_ =	shalt  }
0x66: {  	_ =	shalt  }
0x67: {  	_ =	shalt  }
0x68: {  	_ =	shalt  }
0x69: {  	_ =	shalt  }
0x6a: {  	_ =	shalt  }
0x6b: {  	_ =	shalt  }
0x6c: {  	_ =	shalt  }
0x6d: {  	_ =	shalt  }
0x6e: {  	_ =	shalt  }
0x6f: {  	_ =	shalt  }
0x70: {  	_ =	shalt  }
0x71: {  	_ =	shalt  }
0x72: {  	_ =	shalt  }
0x73: {  	_ =	shalt  }
0x74: {  	_ =	shalt  }
0x75: {  	_ =	shalt  }
0x76: {  	_ =	shalt  }
0x77: {  	_ =	shalt  }
0x78: {  	_ =	shalt  }
0x79: {  	_ =	shalt  }
0x7a: {  	_ =	shalt  }
0x7b: {  	_ =	shalt  }
0x7c: {  	_ =	shalt  }
0x7d: {  	_ =	shalt  }
0x7e: {  	_ =	shalt  }
0x7f: {  	_ =	shalt  }
0x80: {  	_ =	shalt  }
0x81: {  	_ =	shalt  }
0x82: {  	_ =	shalt  }
0x83: {  	_ =	shalt  }
0x84: {  	_ =	shalt  }
0x85: {  	_ =	shalt  }
0x86: {  	_ =	shalt  }
0x87: {  	_ =	shalt  }
.Lfunc_end0:
.L_simem_size_0:
called_computation.1_lowered:
.L_overlay_start_0:
0x88: {  	s2 =	sld [smem:$0x3FD9]  }
0x89: {  	s3 =	sld [smem:$0x3FFE];
	_ =	sdelay $0x1  }
0x8a: {  	s1 =	srdreg.scid  }
0x8b: {  	s0 =	sand.u32 $0x1, s1  }
0x8c: {  	s14 =	sshll.u32 s0, $0xA;
	s2 =	sadd.s32 s3, s2  }
0x8d: {  	s2 =	sadd.s32 s2, s14  }
0x8e: {  	[smem:$0x3FBC] =	sst s2  }
0x8f: {  	_ = 	snop  }
0x90: {  	s2 =	sld [smem:$0x3FD0];
	_ =	sdelay $0x2  }
0x91: {  	s15 =	simm.s32 $0xA;
	s4 =	simm.s32 $0x10  }
0x92: {  	[smem:s4], [sflag:s15] =	dma.local [hbm:s2], $0x1  }
0x93: {  	_ =	swait.eq [sflag:s15], $0x1  }
0x94: {  	[sflag:s15] =	ssyncset.done $0x0  }
0x95: {  	s16 =	sld [smem:$0x10];
	[sflag:s15] =	ssyncadd.s32 $0xFFFFFFFF  }
0x96: {  	s17 =	sld [smem:$0x11];
	(tm) =	ssettm $0x1  }
0x97: {  	s18 =	sld [smem:$0x3FFB];
	_ =	sdelay $0x3  }
0x98: {  	_ =	strace s18  }
0x99: {  	s4 =	sld [smem:$0x3FFC];
	_ =	sdelay $0x3  }
0x9a: {  	_ =	strace s4  }
0x9b: {  	s4 =	sld [smem:$0x3FFD];
	_ =	sdelay $0x3  }
0x9c: {  	_ =	strace s4  }
0x9d: {  	_ =	strace $0x8FFFFFFF  }
0x9e: {  	s19 =	sld [smem:$0x3FDB];
	_ =	sdelay $0x1  }
0x9f: {  	s5 =	simm.s32 $_scs_section_size  }
0xa0: {  	s6 =	simm.s32 $_size__tile_overlayer_lowered;
	s7 =	simm.s32 $_tile_overlayer_lowered  }
0xa1: {  	s22 =	simm.s32 $0x1BFF;
	s21 =	sshll.u32 s7, $0x1;
	s4 =	sadd.s32 s5, s19  }
0xa2: {  	s8 =	simm.s32 $0x0;
	s20 =	sshll.u32 s6, $0x1;
	s6 =	sadd.s32 s21, s4  }
0xa3: {  	[timem:s8], [sflag:s22] =	dma.local [hbm:s6], s20  }
0xa4: {  	_ =	swait.ge [sflag:s22], s20  }
0xa5: {  	s5 =	ssub.s32 $0x0, s20;
	[sflag:s22] =	ssyncset.done $0x0  }
0xa6: {  	[sflag:s22] =	ssyncadd.s32 s5;
	_ =	sdelay $0x1  }
0xa7: {  	s23 =	simm.s32 $0x1B8B  }
0xa8: {  	_ =	swait.ge [sflag:s23], $0x1  }
0xa9: {  	[sflag:s23] =	ssyncset.done $0x0  }
0xaa: {  	s25 =	simm.s32 $0x1B8E;
	s24 =	sld [smem:$0x3FFE];
	[sflag:s23] =	ssyncadd.s32 $0xFFFFFFFF  }
0xab: {  	s26 =	simm.s32 $execute0_lowered;
	[smem:$0x3FD2] =	sst s25  }
0xac: {  	s6 =	sshll.u32 s26, $0x1;
	_ =	strace $0x80000049;
	[dreg:$0x1] =	wrdreg $0xFFFFFFFF  }
0xad: {  	s28 =	simm.s32 $_size_execute0_lowered;
	s4 =	sadd.s32 s4, s6;
	[dreg:$0x0] =	wrdreg $0x0  }
0xae: {  	s6 =	sshll.u32 s28, $0x1;
	[dreg:$0x2] =	wrdreg s4  }
0xaf: {  	[dreg:$0x3] =	wrdreg s6  }
0xb0: {  	[dreg:$0x4] =	wrdreg $0xC0  }
0xb1: {  	_ =	task [dreg:s8], $0x5FFFF  }
0xb2: {  	[dreg:$0x1] =	wrdreg $0xFFFFFFFF  }
0xb3: {  	[dreg:$0x0] =	wrdreg $0x60  }
0xb4: {  	[dreg:$0x2] =	wrdreg s16  }
0xb5: {  	[dreg:$0x3] =	wrdreg s24  }
0xb6: {  	[dreg:$0x4] =	wrdreg s17  }
0xb7: {  	[dreg:$0x5] =	wrdreg $0x11D000  }
0xb8: {  	[dreg:$0x6] =	wrdreg $0x9  }
0xb9: {  	_ =	task.clear_ibuf [dreg:s8], $0x7FFFF;
	_ =	strace $0x90000049  }
0xba: {  	s29 =	simm.s32 $0x9;
	_ =	strace $0x8000004B  }
0xbb: {  	_ =	swait.ge [sflag:s29], $0x1  }
0xbc: {  	[sflag:s29] =	ssyncadd.s32 $0xFFFFFFFF  }
0xbd: {  	_ =	strace $0x9000004B  }
0xbe: {  	_ =	sfence  }
0xbf: {  	s30 =	sld [smem:$0x0];
	_ =	sdelay $0x2  }
0xc0: {  	s31 =	sshll.u32 s1, $0xD;
	s1 =	sshrl.u32 s1, $0x2  }
0xc1: {  	s3 =	sand.u32 $0x4000, s31;
	s1 =	sadd.s32 s1, s30  }
0xc2: {  	s0 =	sor.u32 s3, s0;
	s1 =	sshll.u32 s1, $0x11  }
0xc3: {  	s0 =	sor.u32 s1, s0  }
0xc4: {  	s0 =	sadd.s32 $0x8F2B, s0  }
0xc5: {  	[sflag:s0] =	ssyncadd.remote.s32 $0x1  }
0xc6: {  	_ =	sfence.sel $0xFFFF  }
0xc7: {  	[dreg:$0x0] =	wrdreg $0xFFFFFFFF;
	(pc) =	sbr.abs _section_cstart, $3  }
0xc8: {  	[dreg:$0x1] =	wrdreg $0xFFFFFFFF  }
0xc9: {  	_ =	task.clear_ibuf [dreg:s8], $0x2FFFF;
	_ =	strace $0x9FFFFFFF  }
0xca: {  	(tm) =	ssettm $0x7FFFFFFF  }
0xcb: {  	_ =	shalt  }
tec
execute0_lowered:
.L_overlay_start_1:
0x0: {  	(tag) =	ssettag $0x1  }
0x1: {  	s1 =	rddreg [dreg:$0x0]  }
0x2: {  	s0 =	srdreg.scid;
	s2 =	rddreg [dreg:$0x1]  }
0x3: {  	s12 =	stileid.u32;
	s7 =	rddreg [dreg:$0x2]  }
0x4: {  	s14 =	simm.s32 $0x80;
	s15 =	simm.s32 $0x9D00;
	s16 =	simm.s32 $0xBD00  }
0x5: {  	s18 =	simm.s32 $0xDD00;
	s19 =	simm.s32 $0x180;
	s20 =	simm.s32 $0xFD00  }
0x6: {  	s21 =	simm.s32 $0x1;
	s22 =	simm.s32 $0x2;
	s23 =	simm.s32 $0x3  }
0x7: {  	s24 =	simm.s32 $0x4;
	s28 =	simm.s32 $0x9B80;
	s29 =	simm.s32 $0x9C00  }
0x8: {  	s30 =	simm.s32 $0x4E00;
	s31 =	simm.s32 $0x9C80;
	s8 =	smul.u32 $0x9E00, s12  }
0x9: {  	s0 =	sand.u32 $0x1, s0;
	s11 =	smul.u32 $0x9D0, s12;
	s26 =	sshll.u32 s12, $0x6  }
0xa: {  	s3 =	sshll.u32 s0, $0x4;
	s6 =	smul.u32 $0x9E000, s0;
	s0 =	ssub.s32 $0x2, s0  }
0xb: {  	s4 =	sor.u32 s12, s3;
	s3 =	rddreg [dreg:$0x3];
	s10 =	sshrl.u32 s0, $0x1  }
0xc: {  	s7 =	sadd.s32 s7, s11;
	s12 =	sor.u32 $0x1C05, s26;
	s26 =	simm.s32 $0x9B00  }
0xd: {  	s5 =	smul.u32 $0x9D0, s4;
	s4 =	simm.s32 $0x0;
	s6 =	sadd.s32 s8, s6  }
0xe: {  	s0 =	ssub.s32 s0, s10;
	s25 =	sadd.s32 s8, s3;
	s10 =	simm.s32 $0x5  }
0xf: {  	[smem:$0x7FF] =	sst s4;
	s6 =	sshrl.u32 s6, $0x3;
	s13 =	sshrl.u32 s25, $0x3  }
0x10: {  	s25 =	simm.s32 $0x9A80;
	_ =	strace $0x8000004A;
	s9 =	sadd.s32 s5, s2  }
0x11: {  	s5 =	sadd.s32 $0x16C00, s2;
	s2 =	sadd.s32 s6, s2;
	s6 =	sadd.s32 $0x3200, s9  }
0x12: {  	s8 =	sadd.s32 $0x8EE00, s2;
	s9 =	smax.u32 s0, $0x1;
	s2 =	simm.s32 $0x0  }
.LBB2_1:
0x13: {  	[tilespmem:s4], [sflag:$0x5] =	stream.linear.gather [hbm4b:s6+s4], $0x4E80, $0x38;
	[tilespmem:$0x1BB00] =	vst v63  }
0x14: {  	_ =	swait.ge [sflag:s10], $0x4E80  }
0x15: {  	[sflag:s10] =	ssyncset.done $0x0  }
0x16: {  	s0 =	simm.s32 $0x4E80;
	[sflag:s10] =	ssyncadd.s32 $0xFFFFB180  }
0x17: {  	[tilespmem:s0], [sflag:$0x5] =	stream.linear.gather [hbm4b:s7+s4], $0x4E80, $0x38;
	[tilespmem:$0x1BB00] =	vst v63  }
0x18: {  	_ =	swait.ge [sflag:s10], $0x4E80  }
0x19: {  	[sflag:s10] =	ssyncset.done $0x0  }
0x1a: {  	[sflag:s10] =	ssyncadd.s32 $0xFFFFB180  }
0x1b: {  	[spmem:s13], [sflag:s12] =	dma.local [hbm:s5], $0x13C0  }
0x1c: {  	_ =	swait.ge [sflag:s10], $0x13C0  }
0x1d: {  	[sflag:s10] =	ssyncset.done $0x0  }
0x1e: {  	[sflag:s10] =	ssyncadd.s32 $0xFFFFEC40  }
0x1f: {  	[bflag:$0x0] =	sbarrier.arrive $0xFFFF  }
0x20: {  	[tilespmem:s15], [sflag:$0x1] =	stream.indirect.gather [hbm4b:s1+s14], $0x40, s4, s14, $0xb8;
	[tilespmem:$0x1BB00] =	vst v63  }
0x21: {  	_ = 	snop  }
0x22: {  	[tilespmem:s16], [sflag:$0x2] =	stream.indirect.gather [hbm4b:s1+s14], $0x40, s14, s14, $0xb8;
	[tilespmem:$0x1BB00] =	vst v63  }
0x23: {  	s11 =	simm.s32 $0x100  }
0x24: {  	[tilespmem:s18], [sflag:$0x3] =	stream.indirect.gather [hbm4b:s1+s14], $0x40, s11, s14, $0xb8;
	[tilespmem:$0x1BB00] =	vst v63  }
0x25: {  	_ = 	snop  }
0x26: {  	[tilespmem:s20], [sflag:$0x4] =	stream.indirect.gather [hbm4b:s1+s14], $0x40, s19, s14, $0xb8;
	[tilespmem:$0x1BB00] =	vst v63  }
0x27: {  	_ =	swait.ge [sflag:s21], $0x2000  }
0x28: {  	[sflag:s21] =	ssyncset.done $0x0  }
0x29: {  	s17 =	simm.s32 $0x4E80;
	[sflag:s21] =	ssyncadd.s32 $0xFFFFE000  }
0x2a: {  	[spmem:s3] =	stream.indirect.scatter.add.f32 [tilespmem:s15], [sflag:$0x5], $0x40, s17, s14, $0xb8;
	[tilespmem:$0x1BB00] =	vst v63  }
0x2b: {  	_ =	swait.ge [sflag:s10], $0x2000  }
0x2c: {  	[sflag:s10] =	ssyncset.done $0x0  }
0x2d: {  	s11 =	simm.s32 $0x200;
	[sflag:s10] =	ssyncadd.s32 $0xFFFFE000  }
0x2e: {  	[tilespmem:s15], [sflag:$0x1] =	stream.indirect.gather [hbm4b:s1+s14], $0x40, s11, s14, $0xb8;
	[tilespmem:$0x1BB00] =	vst v63  }
0x2f: {  	_ =	swait.ge [sflag:s22], $0x2000  }
0x30: {  	[sflag:s22] =	ssyncset.done $0x0  }
0x31: {  	s17 =	simm.s32 $0x4F00;
	[sflag:s22] =	ssyncadd.s32 $0xFFFFE000  }
0x32: {  	[spmem:s3] =	stream.indirect.scatter.add.f32 [tilespmem:s16], [sflag:$0x5], $0x40, s17, s14, $0xb8;
	[tilespmem:$0x1BB00] =	vst v63  }
0x33: {  	_ =	swait.ge [sflag:s10], $0x2000  }
0x34: {  	[sflag:s10] =	ssyncset.done $0x0  }
0x35: {  	s11 =	simm.s32 $0x280;
	[sflag:s10] =	ssyncadd.s32 $0xFFFFE000  }
0x36: {  	[tilespmem:s16], [sflag:$0x2] =	stream.indirect.gather [hbm4b:s1+s14], $0x40, s11, s14, $0xb8;
	[tilespmem:$0x1BB00] =	vst v63  }
0x37: {  	_ =	swait.ge [sflag:s23], $0x2000  }
0x38: {  	[sflag:s23] =	ssyncset.done $0x0  }
0x39: {  	s17 =	simm.s32 $0x4F80;
	[sflag:s23] =	ssyncadd.s32 $0xFFFFE000  }
0x3a: {  	[spmem:s3] =	stream.indirect.scatter.add.f32 [tilespmem:s18], [sflag:$0x5], $0x40, s17, s14, $0xb8;
	[tilespmem:$0x1BB00] =	vst v63  }
0x3b: {  	_ =	swait.ge [sflag:s10], $0x2000  }
0x3c: {  	[sflag:s10] =	ssyncset.done $0x0  }
0x3d: {  	s11 =	simm.s32 $0x300;
	[sflag:s10] =	ssyncadd.s32 $0xFFFFE000  }
0x3e: {  	[tilespmem:s18], [sflag:$0x3] =	stream.indirect.gather [hbm4b:s1+s14], $0x40, s11, s14, $0xb8;
	[tilespmem:$0x1BB00] =	vst v63  }
0x3f: {  	_ =	swait.ge [sflag:s24], $0x2000  }
0x40: {  	[sflag:s24] =	ssyncset.done $0x0  }
0x41: {  	s17 =	simm.s32 $0x5000;
	[sflag:s24] =	ssyncadd.s32 $0xFFFFE000  }
0x42: {  	[spmem:s3] =	stream.indirect.scatter.add.f32 [tilespmem:s20], [sflag:$0x5], $0x40, s17, s14, $0xb8;
	[tilespmem:$0x1BB00] =	vst v63  }
0x43: {  	_ =	swait.ge [sflag:s10], $0x2000  }
0x44: {  	[sflag:s10] =	ssyncset.done $0x0  }
0x45: {  	s0 =	simm.s32 $0x800;
	s11 =	simm.s32 $0x380;
	[sflag:s10] =	ssyncadd.s32 $0xFFFFE000  }
.LBB2_2:
0x46: {  	[tilespmem:s20], [sflag:$0x4] =	stream.indirect.gather [hbm4b:s1+s14], $0x40, s11, s14, $0xb8;
	[tilespmem:$0x1BB00] =	vst v63  }
0x47: {  	s11 =	smov.u32 s0  }
0x48: {  	p0 =	sne.s32 s0, $0x12800;
	s0 =	sadd.s32 $0x800, s0;
	_ =	swait.ge [sflag:s21], $0x2000  }
0x49: {  	s11 =	sshra.s32 s11, $0x2;
	[sflag:s21] =	ssyncset.done $0x0  }
0x4a: {  	s17 =	sadd.s32 $0x4E80, s11;
	[sflag:s21] =	ssyncadd.s32 $0xFFFFE000  }
0x4b: {  	[spmem:s3] =	stream.indirect.scatter.add.f32 [tilespmem:s15], [sflag:$0x5], $0x40, s17, s14, $0xb8;
	[tilespmem:$0x1BB00] =	vst v63  }
0x4c: {  	_ =	swait.ge [sflag:s10], $0x2000  }
0x4d: {  	[sflag:s10] =	ssyncset.done $0x0  }
0x4e: {  	s17 =	sadd.s32 $0x200, s11;
	[sflag:s10] =	ssyncadd.s32 $0xFFFFE000  }
0x4f: {  	[tilespmem:s15], [sflag:$0x1] =	stream.indirect.gather [hbm4b:s1+s14], $0x40, s17, s14, $0xb8;
	[tilespmem:$0x1BB00] =	vst v63  }
0x50: {  	_ =	swait.ge [sflag:s22], $0x2000  }
0x51: {  	[sflag:s22] =	ssyncset.done $0x0  }
0x52: {  	s17 =	sadd.s32 $0x4F00, s11;
	[sflag:s22] =	ssyncadd.s32 $0xFFFFE000  }
0x53: {  	[spmem:s3] =	stream.indirect.scatter.add.f32 [tilespmem:s16], [sflag:$0x5], $0x40, s17, s14, $0xb8;
	[tilespmem:$0x1BB00] =	vst v63  }
0x54: {  	_ =	swait.ge [sflag:s10], $0x2000  }
0x55: {  	[sflag:s10] =	ssyncset.done $0x0  }
0x56: {  	s17 =	sadd.s32 $0x280, s11;
	[sflag:s10] =	ssyncadd.s32 $0xFFFFE000  }
0x57: {  	[tilespmem:s16], [sflag:$0x2] =	stream.indirect.gather [hbm4b:s1+s14], $0x40, s17, s14, $0xb8;
	[tilespmem:$0x1BB00] =	vst v63  }
0x58: {  	_ =	swait.ge [sflag:s23], $0x2000  }
0x59: {  	[sflag:s23] =	ssyncset.done $0x0  }
0x5a: {  	s17 =	sadd.s32 $0x4F80, s11;
	[sflag:s23] =	ssyncadd.s32 $0xFFFFE000  }
0x5b: {  	[spmem:s3] =	stream.indirect.scatter.add.f32 [tilespmem:s18], [sflag:$0x5], $0x40, s17, s14, $0xb8;
	[tilespmem:$0x1BB00] =	vst v63  }
0x5c: {  	_ =	swait.ge [sflag:s10], $0x2000  }
0x5d: {  	[sflag:s10] =	ssyncset.done $0x0  }
0x5e: {  	s17 =	sadd.s32 $0x300, s11;
	[sflag:s10] =	ssyncadd.s32 $0xFFFFE000  }
0x5f: {  	[tilespmem:s18], [sflag:$0x3] =	stream.indirect.gather [hbm4b:s1+s14], $0x40, s17, s14, $0xb8;
	[tilespmem:$0x1BB00] =	vst v63  }
0x60: {  	_ =	swait.ge [sflag:s24], $0x2000  }
0x61: {  	[sflag:s24] =	ssyncset.done $0x0  }
.Ltmp0:
0x62: {  	s17 =	sadd.s32 $0x5000, s11;
	[sflag:s24] =	ssyncadd.s32 $0xFFFFE000;
	(pc) =	sbr.rel @p0 .LBB2_2-.Ltmp0, $4  }
0x63: {  	[spmem:s3] =	stream.indirect.scatter.add.f32 [tilespmem:s20], [sflag:$0x5], $0x40, s17, s14, $0xb8;
	[tilespmem:$0x1BB00] =	vst v63  }
0x64: {  	_ =	swait.ge [sflag:s10], $0x2000  }
0x65: {  	[sflag:s10] =	ssyncset.done $0x0  }
0x66: {  	s11 =	sadd.s32 $0x380, s11;
	[sflag:s10] =	ssyncadd.s32 $0xFFFFE000  }
0x67: {  	[tilespmem:s20], [sflag:$0x4] =	stream.indirect.gather [hbm4b:s1+s14], $0x40, s11, s14, $0xb8;
	[tilespmem:$0x1BB00] =	vst v63  }
0x68: {  	_ =	swait.ge [sflag:s21], $0x2000  }
0x69: {  	[sflag:s21] =	ssyncset.done $0x0  }
0x6a: {  	[sflag:s21] =	ssyncadd.s32 $0xFFFFE000  }
0x6b: {  	[spmem:s3] =	stream.indirect.scatter.add.f32 [tilespmem:s15], [sflag:$0x5], $0x40, s25, s14, $0xb8;
	[tilespmem:$0x1BB00] =	vst v63  }
0x6c: {  	_ =	swait.ge [sflag:s10], $0x2000  }
0x6d: {  	[sflag:s10] =	ssyncset.done $0x0  }
0x6e: {  	[sflag:s10] =	ssyncadd.s32 $0xFFFFE000  }
0x6f: {  	_ =	swait.ge [sflag:s22], $0x2000  }
0x70: {  	[sflag:s22] =	ssyncset.done $0x0  }
0x71: {  	[sflag:s22] =	ssyncadd.s32 $0xFFFFE000  }
0x72: {  	[spmem:s3] =	stream.indirect.scatter.add.f32 [tilespmem:s16], [sflag:$0x5], $0x40, s26, s14, $0xb8;
	[tilespmem:$0x1BB00] =	vst v63  }
0x73: {  	_ =	swait.ge [sflag:s10], $0x2000  }
0x74: {  	[sflag:s10] =	ssyncset.done $0x0  }
0x75: {  	[sflag:s10] =	ssyncadd.s32 $0xFFFFE000  }
0x76: {  	_ =	swait.ge [sflag:s23], $0x2000  }
0x77: {  	[sflag:s23] =	ssyncset.done $0x0  }
0x78: {  	[sflag:s23] =	ssyncadd.s32 $0xFFFFE000  }
0x79: {  	[spmem:s3] =	stream.indirect.scatter.add.f32 [tilespmem:s18], [sflag:$0x5], $0x40, s28, s14, $0xb8;
	[tilespmem:$0x1BB00] =	vst v63  }
0x7a: {  	_ =	swait.ge [sflag:s10], $0x2000  }
0x7b: {  	[sflag:s10] =	ssyncset.done $0x0  }
0x7c: {  	[sflag:s10] =	ssyncadd.s32 $0xFFFFE000  }
0x7d: {  	_ =	swait.ge [sflag:s24], $0x2000  }
0x7e: {  	[sflag:s24] =	ssyncset.done $0x0  }
0x7f: {  	[sflag:s24] =	ssyncadd.s32 $0xFFFFE000  }
0x80: {  	[spmem:s3] =	stream.indirect.scatter.add.f32 [tilespmem:s20], [sflag:$0x5], $0x40, s29, s14, $0xb8;
	[tilespmem:$0x1BB00] =	vst v63  }
0x81: {  	_ =	swait.ge [sflag:s10], $0x2000  }
0x82: {  	[sflag:s10] =	ssyncset.done $0x0  }
0x83: {  	[sflag:s10] =	ssyncadd.s32 $0xFFFFE000  }
0x84: {  	[tilespmem:s15], [sflag:$0x1] =	stream.indirect.gather [hbm4b:s1+s14], $0x40, s30, s14, $0xb8;
	[tilespmem:$0x1BB00] =	vst v63  }
0x85: {  	_ =	swait.ge [sflag:s21], $0x2000  }
0x86: {  	[sflag:s21] =	ssyncset.done $0x0  }
0x87: {  	[sflag:s21] =	ssyncadd.s32 $0xFFFFE000  }
0x88: {  	[spmem:s3] =	stream.indirect.scatter.add.f32 [tilespmem:s15], [sflag:$0x5], $0x40, s31, s14, $0xb8;
	[tilespmem:$0x1BB00] =	vst v63  }
0x89: {  	_ =	swait.ge [sflag:s10], $0x2000  }
0x8a: {  	s2 =	sadd.s32 $0x1, s2;
	[sflag:s10] =	ssyncset.done $0x0  }
0x8b: {  	p0 =	sne.s32 s2, s9;
	[sflag:s10] =	ssyncadd.s32 $0xFFFFE000  }
.Ltmp1:
0x8c: {  	[bflag:$0x0] =	sbarrier.arrive $0xFFFF;
	(pc) =	sbr.rel @p0 .LBB2_1-.Ltmp1, $4  }
0x8d: {  	[hbm:s8], [sflag:s12] =	dma.local [spmem:s13], $0x13C0  }
0x8e: {  	_ =	swait.ge [sflag:s10], $0x13C0  }
0x8f: {  	[sflag:s10] =	ssyncset.done $0x0  }
0x90: {  	[sflag:s10] =	ssyncadd.s32 $0xFFFFEC40  }
0x91: {  	_ =	sfence.sel $0x180000  }
0x92: {  	[bflag:$0x0] =	sbarrier.arrive $0xFFFF  }
0x93: {  	_ =	strace $0x9000004A  }
0x94: {  	s0 =	stileid.u32;
	[bflag:$0x2] =	sbarrier.arrive $0xFFFF  }
0x95: {  	p0 =	sne.s32 s0, $0x0;
	s0 =	rddreg [dreg:$0x4]  }
0x96: {  	s0 =	sadd.s32 @!p0 $0x100000, s0  }
0x97: {  	[sflag:s0] =	ssyncadd.tile.s32 @!p0 $0x1;
	_ =	shalt  }
.Lfunc_end2:
_tile_overlayer_lowered:
.L_overlay_start_2:
0x98: {  	(tag) =	ssettag $0x2  }
0x99: {  	s0 =	rddreg [dreg:$0x0];
	s2 =	stileid.u32  }
0x9a: {  	s1 =	rddreg [dreg:$0x1];
	p0 =	sne.s32 s2, $0x0  }
0x9b: {  	s3 =	rddreg [dreg:$0x2];
	[bflag:$0x3] =	sbarrier.arrive $0xFFFF;
	s2 =	simm.s32 @!p0 $0x1C05  }
0x9c: {  	[timem:s3], [sflag:s2] =	dma.local @!p0 [hbm:s0], s1  }
0x9d: {  	s0 =	simm.s32 @!p0 $0x5  }
0x9e: {  	_ =	swait.ge @!p0 [sflag:s0], s1  }
0x9f: {  	s1 =	ssub.s32 @!p0 $0x0, s1;
	[sflag:s0] =	ssyncset.done @!p0 $0x0  }
0xa0: {  	[sflag:s0] =	ssyncadd.s32 @!p0 s1  }
0xa1: {  	[bflag:$0x3] =	sbarrier.arrive $0xFFFF  }
0xa2: {  	_ =	shalt  }

</sc_bundles>
